<compile_context>
chip_gen: v7x
topology: tpu7x:2x2x1
jax: 0.10.2.dev20260603
libtpu: 0.0.44.dev20260713+nightly
codegen_flags: <defaults>
</compile_context>

<pallas_src>
import functools

import jax
import jax.numpy as jnp
from jax import lax
from jax.experimental import pallas as pl
from jax.experimental.pallas import tpu as pltpu
from jax.experimental.pallas import tpu_sc as plsc

_NC = 2
_NS = 16
_NW = _NC * _NS
_CHUNK = 128
_DMAIN = 256
_DTAIL = 128
_LANES = 16


@functools.cache
def _build(n, d):
    n_per_w = n // _NW
    n_chunks = n_per_w // _CHUNK
    assert n_per_w * _NW == n and n_chunks * _CHUNK == n_per_w
    assert n_chunks % 2 == 0
    dt = d - _DMAIN

    mesh = plsc.VectorSubcoreMesh(core_axis_name="c", subcore_axis_name="s")

    @functools.partial(
        pl.kernel,
        mesh=mesh,
        compiler_params=pltpu.CompilerParams(needs_layout_passes=False),
        out_type=jax.ShapeDtypeStruct((n, d), jnp.float32),
        scratch_types=[
            pltpu.VMEM((_CHUNK,), jnp.int32),
            pltpu.VMEM((_CHUNK,), jnp.int32),
            pltpu.VMEM((_CHUNK, d), jnp.float32),
            pltpu.VMEM((_CHUNK, d), jnp.float32),
            pltpu.VMEM((_CHUNK, _DTAIL), jnp.float32),
            pltpu.SemaphoreType.DMA,
            pltpu.SemaphoreType.DMA,
        ],
    )
    def gather_kernel(idx_hbm, table_hbm, tail_hbm, out_hbm,
                      idxb0, idxb1, bufa0, bufa1, bufb, isem, gsem):
        wid = lax.axis_index("s") * _NC + lax.axis_index("c")
        base = wid * n_per_w

        def load_idx(c, idxb):
            pltpu.async_copy(idx_hbm.at[wid, c], idxb, isem)

        def wait_idx(idxb):
            pltpu.make_async_copy(idx_hbm.at[0, 0], idxb, isem).wait()

        def start_main(idxb, bufa):
            pltpu.async_copy(
                table_hbm.at[idxb, pl.ds(0, _DMAIN)],
                bufa.at[:, pl.ds(0, _DMAIN)],
                gsem,
            )

        def start_tail(idxb):
            pltpu.async_copy(tail_hbm.at[idxb], bufb, gsem)

        def wait_main(bufa):
            pltpu.make_async_copy(
                table_hbm.at[idxb0, pl.ds(0, _DMAIN)],
                bufa.at[:, pl.ds(0, _DMAIN)],
                gsem,
            ).wait()

        def wait_tail():
            pltpu.make_async_copy(tail_hbm.at[idxb0], bufb, gsem).wait()

        lanes = lax.iota(jnp.int32, _LANES)
        tail_cols = _DMAIN + 2 * _LANES + lanes
        tail_mask = lanes < dt - 2 * _LANES

        def repack(bufa):
            def row(r, carry):
                for k in (0, _LANES):
                    bufa[r, pl.ds(_DMAIN + k, _LANES)] = bufb[r, pl.ds(k, _LANES)]
                x = bufb[r, pl.ds(2 * _LANES, _LANES)]
                plsc.store_scatter(
                    bufa,
                    [jnp.full((_LANES,), r, jnp.int32), tail_cols],
                    x,
                    mask=tail_mask,
                )
                return carry

            lax.fori_loop(0, _CHUNK, row, 0, unroll=4)

        def store(c, bufa):
            pltpu.sync_copy(bufa, out_hbm.at[pl.ds(base + c * _CHUNK, _CHUNK)])

        pltpu.sync_copy(idx_hbm.at[wid, 0], idxb0)
        start_main(idxb0, bufa0)
        start_tail(idxb0)
        load_idx(1, idxb1)

        def body(c2, carry):
            c0 = 2 * c2
            wait_main(bufa0)
            wait_tail()
            wait_idx(idxb1)
            start_main(idxb1, bufa1)
            load_idx(jnp.minimum(c0 + 2, n_chunks - 1), idxb0)
            repack(bufa0)
            start_tail(idxb1)
            store(c0, bufa0)
            wait_main(bufa1)
            wait_tail()
            wait_idx(idxb0)
            start_main(idxb0, bufa0)
            load_idx(jnp.minimum(c0 + 3, n_chunks - 1), idxb1)
            repack(bufa1)
            start_tail(idxb0)
            store(c0 + 1, bufa1)
            return carry

        lax.fori_loop(0, n_chunks // 2, body, 0)
        wait_main(bufa0)
        wait_tail()
        wait_idx(idxb1)

    return gather_kernel


def kernel(input, table):
    b, s = input.shape
    v, d = table.shape
    n = b * s
    idx = input.reshape(_NW, (n // _NW) // _CHUNK, _CHUNK).astype(jnp.int32)
    tail = jnp.pad(table[:, _DMAIN:], ((0, 0), (0, _DTAIL - (d - _DMAIN))))
    out = _build(n, d)(idx, table, tail)
    return out.reshape(b, s, d)

# --- scband reference (transcript-rebuilt; emitter-appended) ---
"""Pipeline reference for scband-net-w-9440338116889 (READ-ONLY COPY).

The authoritative reference and input builder live on the scoring server;
editing this copy changes nothing except your own understanding.
"""

import jax, jax.numpy as jnp
import numpy as np

NTOKEN = 100000
NINP = 300
BATCH = 16384
SEQ = 50

def setup_inputs(seed: int = 0) -> dict:
    key = jax.random.key(seed)
    k1, k2 = jax.random.split(key)
    indices = jax.random.randint(k1, (BATCH, SEQ), 0, NTOKEN + 1, dtype=jnp.int64 if jax.config.jax_enable_x64 else jnp.int32)
    # embedding table: (ntoken+1, ninp), padding_idx=0 row zeroed
    table = jax.random.normal(k2, (NTOKEN + 1, NINP), dtype=jnp.float32) * 0.02
    table = table.at[0].set(0.0)
    return {"input": indices, "table": table}

def reference(input, table):
    # _netW.forward with format='index': F.dropout(self.word_embed(input), p, training)
    # Dropout is identity in eval mode; embedding lookup is a row gather.
    out = jnp.take(table, input, axis=0)
    return out

if __name__ == "__main__":
    import jax
    _d = setup_inputs()
    print(jax.jit(kernel)(*tuple(_d.values())))

</pallas_src>

<mosaic_0001>
#map = affine_map<(d0, d1) -> (0, 0, 0)>
#map1 = affine_map<(d0, d1) -> (0, 0)>
module attributes {stable_mosaic.version = 14 : i64} {
  func.func @gather_kernel(%arg0: i32, %arg1: i32, %arg2: memref<32x200x128xi32, #tpu.memory_space<hbm>>, %arg3: memref<100001x300xf32, #tpu.memory_space<hbm>>, %arg4: memref<100001x128xf32, #tpu.memory_space<hbm>>, %arg5: memref<819200x300xf32, #tpu.memory_space<hbm>>, %arg6: memref<128xi32, #tpu.memory_space<vmem>>, %arg7: memref<128xi32, #tpu.memory_space<vmem>>, %arg8: memref<128x300xf32, #tpu.memory_space<vmem>>, %arg9: memref<128x300xf32, #tpu.memory_space<vmem>>, %arg10: memref<128x128xf32, #tpu.memory_space<vmem>>, %arg11: memref<!tpu.dma_semaphore, #tpu.memory_space<semaphore_mem>>, %arg12: memref<!tpu.dma_semaphore, #tpu.memory_space<semaphore_mem>>) attributes {dimension_semantics = [#tpu.dimension_semantics<core_parallel>, #tpu.dimension_semantics<subcore_parallel>], iteration_bounds = array<i64: 2, 16>, scalar_prefetch = 0 : i64, scratch_operands = 7 : i64, tpu.core_type = #tpu.core_type<sc_vector_subcore>, window_params = [{transform_indices = #map}, {transform_indices = #map1}, {transform_indices = #map1}, {transform_indices = #map1}]} {
    %mul3A = arith.constant 2 : i32
    %mul3A_0 = arith.muli %arg1, %mul3A : i32
    %add3A = arith.addi %mul3A_0, %arg0 : i32
    %mul3A_1 = arith.constant 25600 : i32
    %mul3A_2 = arith.muli %add3A, %mul3A_1 : i32
    %iota3A = tpu.iota {dimensions = array<i32: 0>} : vector<16xi32>
    %add3A_3 = arith.constant 288 : i32
    %add3A_4 = vector.broadcast %add3A_3 : i32 to vector<16xi32>
    %add3A_5 = arith.addi %add3A_4, %iota3A : vector<16xi32>
    %lt3A = arith.constant 12 : i32
    %lt3A_6 = vector.broadcast %lt3A : i32 to vector<16xi32>
    %lt3A_7 = arith.cmpi slt, %iota3A, %lt3A_6 : vector<16xi32>
    %run_scoped3A = arith.constant 0 : i32
    "tpu.region"() ({
      %run_scoped3A_44 = tpu.sem_alloc : memref<!tpu.dma_semaphore, #tpu.memory_space<semaphore_mem>>
      %dma_start3A_45 = arith.constant 0 : i32
      %dma_start3A_46 = tpu.memref_slice %arg2[%add3A, %run_scoped3A, %dma_start3A_45] : memref<32x200x128xi32, #tpu.memory_space<hbm>> -> memref<1x1x128xi32, #tpu.memory_space<hbm>>
      %dma_start3A_47 = tpu.memref_squeeze %dma_start3A_46 : memref<1x1x128xi32, #tpu.memory_space<hbm>> -> memref<128xi32, #tpu.memory_space<hbm>>
      %dma_start3A_48 = arith.constant 0 : i32
      %dma_start3A_49 = tpu.memref_slice %arg2[%add3A, %run_scoped3A, %dma_start3A_48] : memref<32x200x128xi32, #tpu.memory_space<hbm>> -> memref<1x1x128xi32, #tpu.memory_space<hbm>>
      %dma_start3A_50 = tpu.memref_squeeze %dma_start3A_49 : memref<1x1x128xi32, #tpu.memory_space<hbm>> -> memref<128xi32, #tpu.memory_space<hbm>>
      tpu.enqueue_dma source(%dma_start3A_50 : memref<128xi32, #tpu.memory_space<hbm>>) target(%arg6 : memref<128xi32, #tpu.memory_space<vmem>>) target_semaphore(%run_scoped3A_44 : memref<!tpu.dma_semaphore, #tpu.memory_space<semaphore_mem>>)
      %dma_wait3A_51 = arith.constant 0 : i32
      %dma_wait3A_52 = tpu.memref_slice %arg2[%add3A, %run_scoped3A, %dma_wait3A_51] : memref<32x200x128xi32, #tpu.memory_space<hbm>> -> memref<1x1x128xi32, #tpu.memory_space<hbm>>
      %dma_wait3A_53 = tpu.memref_squeeze %dma_wait3A_52 : memref<1x1x128xi32, #tpu.memory_space<hbm>> -> memref<128xi32, #tpu.memory_space<hbm>>
      %dma_wait3A_54 = arith.constant 0 : i32
      %dma_wait3A_55 = tpu.memref_slice %arg2[%add3A, %run_scoped3A, %dma_wait3A_54] : memref<32x200x128xi32, #tpu.memory_space<hbm>> -> memref<1x1x128xi32, #tpu.memory_space<hbm>>
      %dma_wait3A_56 = tpu.memref_squeeze %dma_wait3A_55 : memref<1x1x128xi32, #tpu.memory_space<hbm>> -> memref<128xi32, #tpu.memory_space<hbm>>
      tpu.wait_dma2 semaphore(%run_scoped3A_44 : memref<!tpu.dma_semaphore, #tpu.memory_space<semaphore_mem>>) src(%dma_wait3A_56 : memref<128xi32, #tpu.memory_space<hbm>>) dst(%arg6 : memref<128xi32, #tpu.memory_space<vmem>>)
      tpu.yield
    }) : () -> ()
    %dma_start3A = arith.constant 0 : i32
    %dma_start3A_8 = arith.constant 0 : i32
    %dma_start3A_9 = tpu.memref_slice %arg8[%dma_start3A, %dma_start3A_8] : memref<128x300xf32, #tpu.memory_space<vmem>> -> memref<128x256xf32, #tpu.memory_space<vmem>>
    %dma_start3A_10 = arith.constant 0 : i32
    %dma_start3A_11 = arith.constant 0 : i32
    %dma_start3A_12 = tpu.memref_slice %arg3[%dma_start3A_10, %dma_start3A_11] : memref<100001x300xf32, #tpu.memory_space<hbm>> -> memref<100001x256xf32, #tpu.memory_space<hbm>>
    tpu.enqueue_indirect_dma source(%dma_start3A_12 : memref<100001x256xf32, #tpu.memory_space<hbm>>) target(%dma_start3A_9 : memref<128x256xf32, #tpu.memory_space<vmem>>) offsets(%arg6 : memref<128xi32, #tpu.memory_space<vmem>>) semaphore(%arg12 : memref<!tpu.dma_semaphore, #tpu.memory_space<semaphore_mem>>)
    %dma_start3A_13 = arith.constant 0 : i32
    %dma_start3A_14 = arith.constant 0 : i32
    %dma_start3A_15 = tpu.memref_slice %arg4[%dma_start3A_13, %dma_start3A_14] : memref<100001x128xf32, #tpu.memory_space<hbm>> -> memref<100001x128xf32, #tpu.memory_space<hbm>>
    tpu.enqueue_indirect_dma source(%dma_start3A_15 : memref<100001x128xf32, #tpu.memory_space<hbm>>) target(%arg10 : memref<128x128xf32, #tpu.memory_space<vmem>>) offsets(%arg6 : memref<128xi32, #tpu.memory_space<vmem>>) semaphore(%arg12 : memref<!tpu.dma_semaphore, #tpu.memory_space<semaphore_mem>>)
    %dma_start3A_16 = arith.constant 1 : i32
    %dma_start3A_17 = arith.constant 0 : i32
    %dma_start3A_18 = tpu.memref_slice %arg2[%add3A, %dma_start3A_16, %dma_start3A_17] : memref<32x200x128xi32, #tpu.memory_space<hbm>> -> memref<1x1x128xi32, #tpu.memory_space<hbm>>
    %dma_start3A_19 = tpu.memref_squeeze %dma_start3A_18 : memref<1x1x128xi32, #tpu.memory_space<hbm>> -> memref<128xi32, #tpu.memory_space<hbm>>
    %dma_start3A_20 = arith.constant 0 : i32
    %dma_start3A_21 = tpu.memref_slice %arg2[%add3A, %dma_start3A_16, %dma_start3A_20] : memref<32x200x128xi32, #tpu.memory_space<hbm>> -> memref<1x1x128xi32, #tpu.memory_space<hbm>>
    %dma_start3A_22 = tpu.memref_squeeze %dma_start3A_21 : memref<1x1x128xi32, #tpu.memory_space<hbm>> -> memref<128xi32, #tpu.memory_space<hbm>>
    tpu.enqueue_dma source(%dma_start3A_22 : memref<128xi32, #tpu.memory_space<hbm>>) target(%arg7 : memref<128xi32, #tpu.memory_space<vmem>>) target_semaphore(%arg11 : memref<!tpu.dma_semaphore, #tpu.memory_space<semaphore_mem>>)
    %scan3A = arith.constant 0 : i32
    %scan3A_23 = arith.constant 0 : i32
    %scan3A_24 = arith.constant 100 : i32
    %scan3A_25 = arith.addi %scan3A_23, %scan3A_24 : i32
    %scan3A_26 = arith.constant 1 : i32
    scf.for %scan3A_44 = %scan3A_23 to %scan3A_25 step %scan3A_26  : i32 {
      %mul3A_45 = arith.constant 2 : i32
      %mul3A_46 = arith.muli %mul3A_45, %scan3A_44 : i32
      %dma_wait3A_47 = arith.constant 0 : i32
      %dma_wait3A_48 = arith.constant 0 : i32
      %dma_wait3A_49 = tpu.memref_slice %arg8[%dma_wait3A_47, %dma_wait3A_48] : memref<128x300xf32, #tpu.memory_space<vmem>> -> memref<128x256xf32, #tpu.memory_space<vmem>>
      %dma_wait3A_50 = arith.constant 0 : i32
      %dma_wait3A_51 = arith.constant 0 : i32
      %dma_wait3A_52 = tpu.memref_slice %arg3[%dma_wait3A_50, %dma_wait3A_51] : memref<100001x300xf32, #tpu.memory_space<hbm>> -> memref<100001x256xf32, #tpu.memory_space<hbm>>
      tpu.wait_indirect_dma semaphore(%arg12 : memref<!tpu.dma_semaphore, #tpu.memory_space<semaphore_mem>>) src(%dma_wait3A_52 : memref<100001x256xf32, #tpu.memory_space<hbm>>) dst(%dma_wait3A_49 : memref<128x256xf32, #tpu.memory_space<vmem>>)
      %dma_wait3A_53 = arith.constant 0 : i32
      %dma_wait3A_54 = arith.constant 0 : i32
      %dma_wait3A_55 = tpu.memref_slice %arg4[%dma_wait3A_53, %dma_wait3A_54] : memref<100001x128xf32, #tpu.memory_space<hbm>> -> memref<100001x128xf32, #tpu.memory_space<hbm>>
      tpu.wait_indirect_dma semaphore(%arg12 : memref<!tpu.dma_semaphore, #tpu.memory_space<semaphore_mem>>) src(%dma_wait3A_55 : memref<100001x128xf32, #tpu.memory_space<hbm>>) dst(%arg10 : memref<128x128xf32, #tpu.memory_space<vmem>>)
      %dma_wait3A_56 = arith.constant 0 : i32
      %dma_wait3A_57 = arith.constant 0 : i32
      %dma_wait3A_58 = arith.constant 0 : i32
      %dma_wait3A_59 = tpu.memref_slice %arg2[%dma_wait3A_56, %dma_wait3A_57, %dma_wait3A_58] : memref<32x200x128xi32, #tpu.memory_space<hbm>> -> memref<1x1x128xi32, #tpu.memory_space<hbm>>
      %dma_wait3A_60 = tpu.memref_squeeze %dma_wait3A_59 : memref<1x1x128xi32, #tpu.memory_space<hbm>> -> memref<128xi32, #tpu.memory_space<hbm>>
      %dma_wait3A_61 = arith.constant 0 : i32
      %dma_wait3A_62 = tpu.memref_slice %arg2[%dma_wait3A_56, %dma_wait3A_57, %dma_wait3A_61] : memref<32x200x128xi32, #tpu.memory_space<hbm>> -> memref<1x1x128xi32, #tpu.memory_space<hbm>>
      %dma_wait3A_63 = tpu.memref_squeeze %dma_wait3A_62 : memref<1x1x128xi32, #tpu.memory_space<hbm>> -> memref<128xi32, #tpu.memory_space<hbm>>
      tpu.wait_dma2 semaphore(%arg11 : memref<!tpu.dma_semaphore, #tpu.memory_space<semaphore_mem>>) src(%dma_wait3A_63 : memref<128xi32, #tpu.memory_space<hbm>>) dst(%arg7 : memref<128xi32, #tpu.memory_space<vmem>>)
      %dma_start3A_64 = arith.constant 0 : i32
      %dma_start3A_65 = arith.constant 0 : i32
      %dma_start3A_66 = tpu.memref_slice %arg9[%dma_start3A_64, %dma_start3A_65] : memref<128x300xf32, #tpu.memory_space<vmem>> -> memref<128x256xf32, #tpu.memory_space<vmem>>
      %dma_start3A_67 = arith.constant 0 : i32
      %dma_start3A_68 = arith.constant 0 : i32
      %dma_start3A_69 = tpu.memref_slice %arg3[%dma_start3A_67, %dma_start3A_68] : memref<100001x300xf32, #tpu.memory_space<hbm>> -> memref<100001x256xf32, #tpu.memory_space<hbm>>
      tpu.enqueue_indirect_dma source(%dma_start3A_69 : memref<100001x256xf32, #tpu.memory_space<hbm>>) target(%dma_start3A_66 : memref<128x256xf32, #tpu.memory_space<vmem>>) offsets(%arg7 : memref<128xi32, #tpu.memory_space<vmem>>) semaphore(%arg12 : memref<!tpu.dma_semaphore, #tpu.memory_space<semaphore_mem>>)
      %add3A_70 = arith.constant 2 : i32
      %add3A_71 = arith.addi %mul3A_46, %add3A_70 : i32
      %min3A = arith.constant 199 : i32
      %min3A_72 = arith.minsi %add3A_71, %min3A : i32
      %dma_start3A_73 = arith.constant 0 : i32
      %dma_start3A_74 = tpu.memref_slice %arg2[%add3A, %min3A_72, %dma_start3A_73] : memref<32x200x128xi32, #tpu.memory_space<hbm>> -> memref<1x1x128xi32, #tpu.memory_space<hbm>>
      %dma_start3A_75 = tpu.memref_squeeze %dma_start3A_74 : memref<1x1x128xi32, #tpu.memory_space<hbm>> -> memref<128xi32, #tpu.memory_space<hbm>>
      %dma_start3A_76 = arith.constant 0 : i32
      %dma_start3A_77 = tpu.memref_slice %arg2[%add3A, %min3A_72, %dma_start3A_76] : memref<32x200x128xi32, #tpu.memory_space<hbm>> -> memref<1x1x128xi32, #tpu.memory_space<hbm>>
      %dma_start3A_78 = tpu.memref_squeeze %dma_start3A_77 : memref<1x1x128xi32, #tpu.memory_space<hbm>> -> memref<128xi32, #tpu.memory_space<hbm>>
      tpu.enqueue_dma source(%dma_start3A_78 : memref<128xi32, #tpu.memory_space<hbm>>) target(%arg6 : memref<128xi32, #tpu.memory_space<vmem>>) target_semaphore(%arg11 : memref<!tpu.dma_semaphore, #tpu.memory_space<semaphore_mem>>)
      %scan3A_79 = arith.constant 0 : i32
      %scan3A_80 = arith.constant 0 : i32
      %scan3A_81 = arith.constant 128 : i32
      %scan3A_82 = arith.addi %scan3A_80, %scan3A_81 : i32
      %scan3A_83 = arith.constant 4 : i32
      scf.for %scan3A_138 = %scan3A_80 to %scan3A_82 step %scan3A_83  : i32 {
        %get3A = arith.index_cast %scan3A_138 : i32 to index
        %get3A_139 = arith.constant 0 : index
        %get3A_140 = tpu.vector_load %arg10[%get3A, %get3A_139] {strides = array<i32>} : memref<128x128xf32, #tpu.memory_space<vmem>>, vector<16xf32>,
        %swap3A = arith.index_cast %scan3A_138 : i32 to index
        %swap3A_141 = arith.constant 256 : index
        %swap3A_142 = tpu.vector_load %arg8[%swap3A, %swap3A_141] {strides = array<i32>} : memref<128x300xf32, #tpu.memory_space<vmem>>, vector<16xf32>,
        tpu.vector_store %arg8[%swap3A, %swap3A_141], %get3A_140 {strides = array<i32>} : memref<128x300xf32, #tpu.memory_space<vmem>>, vector<16xf32>,
        %get3A_143 = arith.index_cast %scan3A_138 : i32 to index
        %get3A_144 = arith.constant 16 : index
        %get3A_145 = tpu.vector_load %arg10[%get3A_143, %get3A_144] {strides = array<i32>} : memref<128x128xf32, #tpu.memory_space<vmem>>, vector<16xf32>,
        %swap3A_146 = arith.index_cast %scan3A_138 : i32 to index
        %swap3A_147 = arith.constant 272 : index
        %swap3A_148 = tpu.vector_load %arg8[%swap3A_146, %swap3A_147] {strides = array<i32>} : memref<128x300xf32, #tpu.memory_space<vmem>>, vector<16xf32>,
        tpu.vector_store %arg8[%swap3A_146, %swap3A_147], %get3A_145 {strides = array<i32>} : memref<128x300xf32, #tpu.memory_space<vmem>>, vector<16xf32>,
        %get3A_149 = arith.index_cast %scan3A_138 : i32 to index
        %get3A_150 = arith.constant 32 : index
        %get3A_151 = tpu.vector_load %arg10[%get3A_149, %get3A_150] {strides = array<i32>} : memref<128x128xf32, #tpu.memory_space<vmem>>, vector<16xf32>,
        %broadcast_in_dim3A = vector.broadcast %scan3A_138 : i32 to vector<16xi32>
        tpu.vector_store_idx %arg8[%broadcast_in_dim3A, %add3A_5], %get3A_151 masked %lt3A_7 : memref<128x300xf32, #tpu.memory_space<vmem>>[vector<16xi32>, vector<16xi32>], vector<16xf32>, vector<16xi1>
        %scan3A_152 = arith.constant 1 : i32
        %scan3A_153 = arith.addi %scan3A_138, %scan3A_152 : i32
        %get3A_154 = arith.index_cast %scan3A_153 : i32 to index
        %get3A_155 = arith.constant 0 : index
        %get3A_156 = tpu.vector_load %arg10[%get3A_154, %get3A_155] {strides = array<i32>} : memref<128x128xf32, #tpu.memory_space<vmem>>, vector<16xf32>,
        %swap3A_157 = arith.index_cast %scan3A_153 : i32 to index
        %swap3A_158 = arith.constant 256 : index
        %swap3A_159 = tpu.vector_load %arg8[%swap3A_157, %swap3A_158] {strides = array<i32>} : memref<128x300xf32, #tpu.memory_space<vmem>>, vector<16xf32>,
        tpu.vector_store %arg8[%swap3A_157, %swap3A_158], %get3A_156 {strides = array<i32>} : memref<128x300xf32, #tpu.memory_space<vmem>>, vector<16xf32>,
        %get3A_160 = arith.index_cast %scan3A_153 : i32 to index
        %get3A_161 = arith.constant 16 : index
        %get3A_162 = tpu.vector_load %arg10[%get3A_160, %get3A_161] {strides = array<i32>} : memref<128x128xf32, #tpu.memory_space<vmem>>, vector<16xf32>,
        %swap3A_163 = arith.index_cast %scan3A_153 : i32 to index
        %swap3A_164 = arith.constant 272 : index
        %swap3A_165 = tpu.vector_load %arg8[%swap3A_163, %swap3A_164] {strides = array<i32>} : memref<128x300xf32, #tpu.memory_space<vmem>>, vector<16xf32>,
        tpu.vector_store %arg8[%swap3A_163, %swap3A_164], %get3A_162 {strides = array<i32>} : memref<128x300xf32, #tpu.memory_space<vmem>>, vector<16xf32>,
        %get3A_166 = arith.index_cast %scan3A_153 : i32 to index
        %get3A_167 = arith.constant 32 : index
        %get3A_168 = tpu.vector_load %arg10[%get3A_166, %get3A_167] {strides = array<i32>} : memref<128x128xf32, #tpu.memory_space<vmem>>, vector<16xf32>,
        %broadcast_in_dim3A_169 = vector.broadcast %scan3A_153 : i32 to vector<16xi32>
        tpu.vector_store_idx %arg8[%broadcast_in_dim3A_169, %add3A_5], %get3A_168 masked %lt3A_7 : memref<128x300xf32, #tpu.memory_space<vmem>>[vector<16xi32>, vector<16xi32>], vector<16xf32>, vector<16xi1>
        %scan3A_170 = arith.constant 2 : i32
        %scan3A_171 = arith.addi %scan3A_138, %scan3A_170 : i32
        %get3A_172 = arith.index_cast %scan3A_171 : i32 to index
        %get3A_173 = arith.constant 0 : index
        %get3A_174 = tpu.vector_load %arg10[%get3A_172, %get3A_173] {strides = array<i32>} : memref<128x128xf32, #tpu.memory_space<vmem>>, vector<16xf32>,
        %swap3A_175 = arith.index_cast %scan3A_171 : i32 to index
        %swap3A_176 = arith.constant 256 : index
        %swap3A_177 = tpu.vector_load %arg8[%swap3A_175, %swap3A_176] {strides = array<i32>} : memref<128x300xf32, #tpu.memory_space<vmem>>, vector<16xf32>,
        tpu.vector_store %arg8[%swap3A_175, %swap3A_176], %get3A_174 {strides = array<i32>} : memref<128x300xf32, #tpu.memory_space<vmem>>, vector<16xf32>,
        %get3A_178 = arith.index_cast %scan3A_171 : i32 to index
        %get3A_179 = arith.constant 16 : index
        %get3A_180 = tpu.vector_load %arg10[%get3A_178, %get3A_179] {strides = array<i32>} : memref<128x128xf32, #tpu.memory_space<vmem>>, vector<16xf32>,
        %swap3A_181 = arith.index_cast %scan3A_171 : i32 to index
        %swap3A_182 = arith.constant 272 : index
        %swap3A_183 = tpu.vector_load %arg8[%swap3A_181, %swap3A_182] {strides = array<i32>} : memref<128x300xf32, #tpu.memory_space<vmem>>, vector<16xf32>,
        tpu.vector_store %arg8[%swap3A_181, %swap3A_182], %get3A_180 {strides = array<i32>} : memref<128x300xf32, #tpu.memory_space<vmem>>, vector<16xf32>,
        %get3A_184 = arith.index_cast %scan3A_171 : i32 to index
        %get3A_185 = arith.constant 32 : index
        %get3A_186 = tpu.vector_load %arg10[%get3A_184, %get3A_185] {strides = array<i32>} : memref<128x128xf32, #tpu.memory_space<vmem>>, vector<16xf32>,
        %broadcast_in_dim3A_187 = vector.broadcast %scan3A_171 : i32 to vector<16xi32>
        tpu.vector_store_idx %arg8[%broadcast_in_dim3A_187, %add3A_5], %get3A_186 masked %lt3A_7 : memref<128x300xf32, #tpu.memory_space<vmem>>[vector<16xi32>, vector<16xi32>], vector<16xf32>, vector<16xi1>
        %scan3A_188 = arith.constant 3 : i32
        %scan3A_189 = arith.addi %scan3A_138, %scan3A_188 : i32
        %get3A_190 = arith.index_cast %scan3A_189 : i32 to index
        %get3A_191 = arith.constant 0 : index
        %get3A_192 = tpu.vector_load %arg10[%get3A_190, %get3A_191] {strides = array<i32>} : memref<128x128xf32, #tpu.memory_space<vmem>>, vector<16xf32>,
        %swap3A_193 = arith.index_cast %scan3A_189 : i32 to index
        %swap3A_194 = arith.constant 256 : index
        %swap3A_195 = tpu.vector_load %arg8[%swap3A_193, %swap3A_194] {strides = array<i32>} : memref<128x300xf32, #tpu.memory_space<vmem>>, vector<16xf32>,
        tpu.vector_store %arg8[%swap3A_193, %swap3A_194], %get3A_192 {strides = array<i32>} : memref<128x300xf32, #tpu.memory_space<vmem>>, vector<16xf32>,
        %get3A_196 = arith.index_cast %scan3A_189 : i32 to index
        %get3A_197 = arith.constant 16 : index
        %get3A_198 = tpu.vector_load %arg10[%get3A_196, %get3A_197] {strides = array<i32>} : memref<128x128xf32, #tpu.memory_space<vmem>>, vector<16xf32>,
        %swap3A_199 = arith.index_cast %scan3A_189 : i32 to index
        %swap3A_200 = arith.constant 272 : index
        %swap3A_201 = tpu.vector_load %arg8[%swap3A_199, %swap3A_200] {strides = array<i32>} : memref<128x300xf32, #tpu.memory_space<vmem>>, vector<16xf32>,
        tpu.vector_store %arg8[%swap3A_199, %swap3A_200], %get3A_198 {strides = array<i32>} : memref<128x300xf32, #tpu.memory_space<vmem>>, vector<16xf32>,
        %get3A_202 = arith.index_cast %scan3A_189 : i32 to index
        %get3A_203 = arith.constant 32 : index
        %get3A_204 = tpu.vector_load %arg10[%get3A_202, %get3A_203] {strides = array<i32>} : memref<128x128xf32, #tpu.memory_space<vmem>>, vector<16xf32>,
        %broadcast_in_dim3A_205 = vector.broadcast %scan3A_189 : i32 to vector<16xi32>
        tpu.vector_store_idx %arg8[%broadcast_in_dim3A_205, %add3A_5], %get3A_204 masked %lt3A_7 : memref<128x300xf32, #tpu.memory_space<vmem>>[vector<16xi32>, vector<16xi32>], vector<16xf32>, vector<16xi1>
      }
      %scan3A_84 = arith.constant 128 : i32
      %dma_start3A_85 = arith.constant 0 : i32
      %dma_start3A_86 = arith.constant 0 : i32
      %dma_start3A_87 = tpu.memref_slice %arg4[%dma_start3A_85, %dma_start3A_86] : memref<100001x128xf32, #tpu.memory_space<hbm>> -> memref<100001x128xf32, #tpu.memory_space<hbm>>
      tpu.enqueue_indirect_dma source(%dma_start3A_87 : memref<100001x128xf32, #tpu.memory_space<hbm>>) target(%arg10 : memref<128x128xf32, #tpu.memory_space<vmem>>) offsets(%arg7 : memref<128xi32, #tpu.memory_space<vmem>>) semaphore(%arg12 : memref<!tpu.dma_semaphore, #tpu.memory_space<semaphore_mem>>)
      %mul3A_88 = arith.constant 128 : i32
      %mul3A_89 = arith.muli %mul3A_46, %mul3A_88 : i32
      %add3A_90 = arith.addi %mul3A_2, %mul3A_89 : i32
      "tpu.region"() ({
        %run_scoped3A_138 = tpu.sem_alloc : memref<!tpu.dma_semaphore, #tpu.memory_space<semaphore_mem>>
        %dma_start3A_139 = arith.constant 0 : i32
        %dma_start3A_140 = tpu.memref_slice %arg5[%add3A_90, %dma_start3A_139] : memref<819200x300xf32, #tpu.memory_space<hbm>> -> memref<128x300xf32, #tpu.memory_space<hbm>>
        %dma_start3A_141 = arith.constant 0 : i32
        %dma_start3A_142 = tpu.memref_slice %arg5[%add3A_90, %dma_start3A_141] : memref<819200x300xf32, #tpu.memory_space<hbm>> -> memref<128x300xf32, #tpu.memory_space<hbm>>
        tpu.enqueue_dma source(%arg8 : memref<128x300xf32, #tpu.memory_space<vmem>>) target(%dma_start3A_142 : memref<128x300xf32, #tpu.memory_space<hbm>>) target_semaphore(%run_scoped3A_138 : memref<!tpu.dma_semaphore, #tpu.memory_space<semaphore_mem>>)
        %dma_wait3A_143 = arith.constant 0 : i32
        %dma_wait3A_144 = tpu.memref_slice %arg5[%add3A_90, %dma_wait3A_143] : memref<819200x300xf32, #tpu.memory_space<hbm>> -> memref<128x300xf32, #tpu.memory_space<hbm>>
        %dma_wait3A_145 = arith.constant 0 : i32
        %dma_wait3A_146 = tpu.memref_slice %arg5[%add3A_90, %dma_wait3A_145] : memref<819200x300xf32, #tpu.memory_space<hbm>> -> memref<128x300xf32, #tpu.memory_space<hbm>>
        tpu.wait_dma2 semaphore(%run_scoped3A_138 : memref<!tpu.dma_semaphore, #tpu.memory_space<semaphore_mem>>) src(%arg8 : memref<128x300xf32, #tpu.memory_space<vmem>>) dst(%dma_wait3A_146 : memref<128x300xf32, #tpu.memory_space<hbm>>)
        tpu.yield
      }) : () -> ()
      %dma_wait3A_91 = arith.constant 0 : i32
      %dma_wait3A_92 = arith.constant 0 : i32
      %dma_wait3A_93 = tpu.memref_slice %arg9[%dma_wait3A_91, %dma_wait3A_92] : memref<128x300xf32, #tpu.memory_space<vmem>> -> memref<128x256xf32, #tpu.memory_space<vmem>>
      %dma_wait3A_94 = arith.constant 0 : i32
      %dma_wait3A_95 = arith.constant 0 : i32
      %dma_wait3A_96 = tpu.memref_slice %arg3[%dma_wait3A_94, %dma_wait3A_95] : memref<100001x300xf32, #tpu.memory_space<hbm>> -> memref<100001x256xf32, #tpu.memory_space<hbm>>
      tpu.wait_indirect_dma semaphore(%arg12 : memref<!tpu.dma_semaphore, #tpu.memory_space<semaphore_mem>>) src(%dma_wait3A_96 : memref<100001x256xf32, #tpu.memory_space<hbm>>) dst(%dma_wait3A_93 : memref<128x256xf32, #tpu.memory_space<vmem>>)
      %dma_wait3A_97 = arith.constant 0 : i32
      %dma_wait3A_98 = arith.constant 0 : i32
      %dma_wait3A_99 = tpu.memref_slice %arg4[%dma_wait3A_97, %dma_wait3A_98] : memref<100001x128xf32, #tpu.memory_space<hbm>> -> memref<100001x128xf32, #tpu.memory_space<hbm>>
      tpu.wait_indirect_dma semaphore(%arg12 : memref<!tpu.dma_semaphore, #tpu.memory_space<semaphore_mem>>) src(%dma_wait3A_99 : memref<100001x128xf32, #tpu.memory_space<hbm>>) dst(%arg10 : memref<128x128xf32, #tpu.memory_space<vmem>>)
      %dma_wait3A_100 = arith.constant 0 : i32
      %dma_wait3A_101 = arith.constant 0 : i32
      %dma_wait3A_102 = arith.constant 0 : i32
      %dma_wait3A_103 = tpu.memref_slice %arg2[%dma_wait3A_100, %dma_wait3A_101, %dma_wait3A_102] : memref<32x200x128xi32, #tpu.memory_space<hbm>> -> memref<1x1x128xi32, #tpu.memory_space<hbm>>
      %dma_wait3A_104 = tpu.memref_squeeze %dma_wait3A_103 : memref<1x1x128xi32, #tpu.memory_space<hbm>> -> memref<128xi32, #tpu.memory_space<hbm>>
      %dma_wait3A_105 = arith.constant 0 : i32
      %dma_wait3A_106 = tpu.memref_slice %arg2[%dma_wait3A_100, %dma_wait3A_101, %dma_wait3A_105] : memref<32x200x128xi32, #tpu.memory_space<hbm>> -> memref<1x1x128xi32, #tpu.memory_space<hbm>>
      %dma_wait3A_107 = tpu.memref_squeeze %dma_wait3A_106 : memref<1x1x128xi32, #tpu.memory_space<hbm>> -> memref<128xi32, #tpu.memory_space<hbm>>
      tpu.wait_dma2 semaphore(%arg11 : memref<!tpu.dma_semaphore, #tpu.memory_space<semaphore_mem>>) src(%dma_wait3A_107 : memref<128xi32, #tpu.memory_space<hbm>>) dst(%arg6 : memref<128xi32, #tpu.memory_space<vmem>>)
      %dma_start3A_108 = arith.constant 0 : i32
      %dma_start3A_109 = arith.constant 0 : i32
      %dma_start3A_110 = tpu.memref_slice %arg8[%dma_start3A_108, %dma_start3A_109] : memref<128x300xf32, #tpu.memory_space<vmem>> -> memref<128x256xf32, #tpu.memory_space<vmem>>
      %dma_start3A_111 = arith.constant 0 : i32
      %dma_start3A_112 = arith.constant 0 : i32
      %dma_start3A_113 = tpu.memref_slice %arg3[%dma_start3A_111, %dma_start3A_112] : memref<100001x300xf32, #tpu.memory_space<hbm>> -> memref<100001x256xf32, #tpu.memory_space<hbm>>
      tpu.enqueue_indirect_dma source(%dma_start3A_113 : memref<100001x256xf32, #tpu.memory_space<hbm>>) target(%dma_start3A_110 : memref<128x256xf32, #tpu.memory_space<vmem>>) offsets(%arg6 : memref<128xi32, #tpu.memory_space<vmem>>) semaphore(%arg12 : memref<!tpu.dma_semaphore, #tpu.memory_space<semaphore_mem>>)
      %add3A_114 = arith.constant 3 : i32
      %add3A_115 = arith.addi %mul3A_46, %add3A_114 : i32
      %min3A_116 = arith.constant 199 : i32
      %min3A_117 = arith.minsi %add3A_115, %min3A_116 : i32
      %dma_start3A_118 = arith.constant 0 : i32
      %dma_start3A_119 = tpu.memref_slice %arg2[%add3A, %min3A_117, %dma_start3A_118] : memref<32x200x128xi32, #tpu.memory_space<hbm>> -> memref<1x1x128xi32, #tpu.memory_space<hbm>>
      %dma_start3A_120 = tpu.memref_squeeze %dma_start3A_119 : memref<1x1x128xi32, #tpu.memory_space<hbm>> -> memref<128xi32, #tpu.memory_space<hbm>>
      %dma_start3A_121 = arith.constant 0 : i32
      %dma_start3A_122 = tpu.memref_slice %arg2[%add3A, %min3A_117, %dma_start3A_121] : memref<32x200x128xi32, #tpu.memory_space<hbm>> -> memref<1x1x128xi32, #tpu.memory_space<hbm>>
      %dma_start3A_123 = tpu.memref_squeeze %dma_start3A_122 : memref<1x1x128xi32, #tpu.memory_space<hbm>> -> memref<128xi32, #tpu.memory_space<hbm>>
      tpu.enqueue_dma source(%dma_start3A_123 : memref<128xi32, #tpu.memory_space<hbm>>) target(%arg7 : memref<128xi32, #tpu.memory_space<vmem>>) target_semaphore(%arg11 : memref<!tpu.dma_semaphore, #tpu.memory_space<semaphore_mem>>)
      %scan3A_124 = arith.constant 0 : i32
      %scan3A_125 = arith.constant 0 : i32
      %scan3A_126 = arith.constant 128 : i32
      %scan3A_127 = arith.addi %scan3A_125, %scan3A_126 : i32
      %scan3A_128 = arith.constant 4 : i32
      scf.for %scan3A_138 = %scan3A_125 to %scan3A_127 step %scan3A_128  : i32 {
        %get3A = arith.index_cast %scan3A_138 : i32 to index
        %get3A_139 = arith.constant 0 : index
        %get3A_140 = tpu.vector_load %arg10[%get3A, %get3A_139] {strides = array<i32>} : memref<128x128xf32, #tpu.memory_space<vmem>>, vector<16xf32>,
        %swap3A = arith.index_cast %scan3A_138 : i32 to index
        %swap3A_141 = arith.constant 256 : index
        %swap3A_142 = tpu.vector_load %arg9[%swap3A, %swap3A_141] {strides = array<i32>} : memref<128x300xf32, #tpu.memory_space<vmem>>, vector<16xf32>,
        tpu.vector_store %arg9[%swap3A, %swap3A_141], %get3A_140 {strides = array<i32>} : memref<128x300xf32, #tpu.memory_space<vmem>>, vector<16xf32>,
        %get3A_143 = arith.index_cast %scan3A_138 : i32 to index
        %get3A_144 = arith.constant 16 : index
        %get3A_145 = tpu.vector_load %arg10[%get3A_143, %get3A_144] {strides = array<i32>} : memref<128x128xf32, #tpu.memory_space<vmem>>, vector<16xf32>,
        %swap3A_146 = arith.index_cast %scan3A_138 : i32 to index
        %swap3A_147 = arith.constant 272 : index
        %swap3A_148 = tpu.vector_load %arg9[%swap3A_146, %swap3A_147] {strides = array<i32>} : memref<128x300xf32, #tpu.memory_space<vmem>>, vector<16xf32>,
        tpu.vector_store %arg9[%swap3A_146, %swap3A_147], %get3A_145 {strides = array<i32>} : memref<128x300xf32, #tpu.memory_space<vmem>>, vector<16xf32>,
        %get3A_149 = arith.index_cast %scan3A_138 : i32 to index
        %get3A_150 = arith.constant 32 : index
        %get3A_151 = tpu.vector_load %arg10[%get3A_149, %get3A_150] {strides = array<i32>} : memref<128x128xf32, #tpu.memory_space<vmem>>, vector<16xf32>,
        %broadcast_in_dim3A = vector.broadcast %scan3A_138 : i32 to vector<16xi32>
        tpu.vector_store_idx %arg9[%broadcast_in_dim3A, %add3A_5], %get3A_151 masked %lt3A_7 : memref<128x300xf32, #tpu.memory_space<vmem>>[vector<16xi32>, vector<16xi32>], vector<16xf32>, vector<16xi1>
        %scan3A_152 = arith.constant 1 : i32
        %scan3A_153 = arith.addi %scan3A_138, %scan3A_152 : i32
        %get3A_154 = arith.index_cast %scan3A_153 : i32 to index
        %get3A_155 = arith.constant 0 : index
        %get3A_156 = tpu.vector_load %arg10[%get3A_154, %get3A_155] {strides = array<i32>} : memref<128x128xf32, #tpu.memory_space<vmem>>, vector<16xf32>,
        %swap3A_157 = arith.index_cast %scan3A_153 : i32 to index
        %swap3A_158 = arith.constant 256 : index
        %swap3A_159 = tpu.vector_load %arg9[%swap3A_157, %swap3A_158] {strides = array<i32>} : memref<128x300xf32, #tpu.memory_space<vmem>>, vector<16xf32>,
        tpu.vector_store %arg9[%swap3A_157, %swap3A_158], %get3A_156 {strides = array<i32>} : memref<128x300xf32, #tpu.memory_space<vmem>>, vector<16xf32>,
        %get3A_160 = arith.index_cast %scan3A_153 : i32 to index
        %get3A_161 = arith.constant 16 : index
        %get3A_162 = tpu.vector_load %arg10[%get3A_160, %get3A_161] {strides = array<i32>} : memref<128x128xf32, #tpu.memory_space<vmem>>, vector<16xf32>,
        %swap3A_163 = arith.index_cast %scan3A_153 : i32 to index
        %swap3A_164 = arith.constant 272 : index
        %swap3A_165 = tpu.vector_load %arg9[%swap3A_163, %swap3A_164] {strides = array<i32>} : memref<128x300xf32, #tpu.memory_space<vmem>>, vector<16xf32>,
        tpu.vector_store %arg9[%swap3A_163, %swap3A_164], %get3A_162 {strides = array<i32>} : memref<128x300xf32, #tpu.memory_space<vmem>>, vector<16xf32>,
        %get3A_166 = arith.index_cast %scan3A_153 : i32 to index
        %get3A_167 = arith.constant 32 : index
        %get3A_168 = tpu.vector_load %arg10[%get3A_166, %get3A_167] {strides = array<i32>} : memref<128x128xf32, #tpu.memory_space<vmem>>, vector<16xf32>,
        %broadcast_in_dim3A_169 = vector.broadcast %scan3A_153 : i32 to vector<16xi32>
        tpu.vector_store_idx %arg9[%broadcast_in_dim3A_169, %add3A_5], %get3A_168 masked %lt3A_7 : memref<128x300xf32, #tpu.memory_space<vmem>>[vector<16xi32>, vector<16xi32>], vector<16xf32>, vector<16xi1>
        %scan3A_170 = arith.constant 2 : i32
        %scan3A_171 = arith.addi %scan3A_138, %scan3A_170 : i32
        %get3A_172 = arith.index_cast %scan3A_171 : i32 to index
        %get3A_173 = arith.constant 0 : index
        %get3A_174 = tpu.vector_load %arg10[%get3A_172, %get3A_173] {strides = array<i32>} : memref<128x128xf32, #tpu.memory_space<vmem>>, vector<16xf32>,
        %swap3A_175 = arith.index_cast %scan3A_171 : i32 to index
        %swap3A_176 = arith.constant 256 : index
        %swap3A_177 = tpu.vector_load %arg9[%swap3A_175, %swap3A_176] {strides = array<i32>} : memref<128x300xf32, #tpu.memory_space<vmem>>, vector<16xf32>,
        tpu.vector_store %arg9[%swap3A_175, %swap3A_176], %get3A_174 {strides = array<i32>} : memref<128x300xf32, #tpu.memory_space<vmem>>, vector<16xf32>,
        %get3A_178 = arith.index_cast %scan3A_171 : i32 to index
        %get3A_179 = arith.constant 16 : index
        %get3A_180 = tpu.vector_load %arg10[%get3A_178, %get3A_179] {strides = array<i32>} : memref<128x128xf32, #tpu.memory_space<vmem>>, vector<16xf32>,
        %swap3A_181 = arith.index_cast %scan3A_171 : i32 to index
        %swap3A_182 = arith.constant 272 : index
        %swap3A_183 = tpu.vector_load %arg9[%swap3A_181, %swap3A_182] {strides = array<i32>} : memref<128x300xf32, #tpu.memory_space<vmem>>, vector<16xf32>,
        tpu.vector_store %arg9[%swap3A_181, %swap3A_182], %get3A_180 {strides = array<i32>} : memref<128x300xf32, #tpu.memory_space<vmem>>, vector<16xf32>,
        %get3A_184 = arith.index_cast %scan3A_171 : i32 to index
        %get3A_185 = arith.constant 32 : index
        %get3A_186 = tpu.vector_load %arg10[%get3A_184, %get3A_185] {strides = array<i32>} : memref<128x128xf32, #tpu.memory_space<vmem>>, vector<16xf32>,
        %broadcast_in_dim3A_187 = vector.broadcast %scan3A_171 : i32 to vector<16xi32>
        tpu.vector_store_idx %arg9[%broadcast_in_dim3A_187, %add3A_5], %get3A_186 masked %lt3A_7 : memref<128x300xf32, #tpu.memory_space<vmem>>[vector<16xi32>, vector<16xi32>], vector<16xf32>, vector<16xi1>
        %scan3A_188 = arith.constant 3 : i32
        %scan3A_189 = arith.addi %scan3A_138, %scan3A_188 : i32
        %get3A_190 = arith.index_cast %scan3A_189 : i32 to index
        %get3A_191 = arith.constant 0 : index
        %get3A_192 = tpu.vector_load %arg10[%get3A_190, %get3A_191] {strides = array<i32>} : memref<128x128xf32, #tpu.memory_space<vmem>>, vector<16xf32>,
        %swap3A_193 = arith.index_cast %scan3A_189 : i32 to index
        %swap3A_194 = arith.constant 256 : index
        %swap3A_195 = tpu.vector_load %arg9[%swap3A_193, %swap3A_194] {strides = array<i32>} : memref<128x300xf32, #tpu.memory_space<vmem>>, vector<16xf32>,
        tpu.vector_store %arg9[%swap3A_193, %swap3A_194], %get3A_192 {strides = array<i32>} : memref<128x300xf32, #tpu.memory_space<vmem>>, vector<16xf32>,
        %get3A_196 = arith.index_cast %scan3A_189 : i32 to index
        %get3A_197 = arith.constant 16 : index
        %get3A_198 = tpu.vector_load %arg10[%get3A_196, %get3A_197] {strides = array<i32>} : memref<128x128xf32, #tpu.memory_space<vmem>>, vector<16xf32>,
        %swap3A_199 = arith.index_cast %scan3A_189 : i32 to index
        %swap3A_200 = arith.constant 272 : index
        %swap3A_201 = tpu.vector_load %arg9[%swap3A_199, %swap3A_200] {strides = array<i32>} : memref<128x300xf32, #tpu.memory_space<vmem>>, vector<16xf32>,
        tpu.vector_store %arg9[%swap3A_199, %swap3A_200], %get3A_198 {strides = array<i32>} : memref<128x300xf32, #tpu.memory_space<vmem>>, vector<16xf32>,
        %get3A_202 = arith.index_cast %scan3A_189 : i32 to index
        %get3A_203 = arith.constant 32 : index
        %get3A_204 = tpu.vector_load %arg10[%get3A_202, %get3A_203] {strides = array<i32>} : memref<128x128xf32, #tpu.memory_space<vmem>>, vector<16xf32>,
        %broadcast_in_dim3A_205 = vector.broadcast %scan3A_189 : i32 to vector<16xi32>
        tpu.vector_store_idx %arg9[%broadcast_in_dim3A_205, %add3A_5], %get3A_204 masked %lt3A_7 : memref<128x300xf32, #tpu.memory_space<vmem>>[vector<16xi32>, vector<16xi32>], vector<16xf32>, vector<16xi1>
      }
      %scan3A_129 = arith.constant 128 : i32
      %dma_start3A_130 = arith.constant 0 : i32
      %dma_start3A_131 = arith.constant 0 : i32
      %dma_start3A_132 = tpu.memref_slice %arg4[%dma_start3A_130, %dma_start3A_131] : memref<100001x128xf32, #tpu.memory_space<hbm>> -> memref<100001x128xf32, #tpu.memory_space<hbm>>
      tpu.enqueue_indirect_dma source(%dma_start3A_132 : memref<100001x128xf32, #tpu.memory_space<hbm>>) target(%arg10 : memref<128x128xf32, #tpu.memory_space<vmem>>) offsets(%arg6 : memref<128xi32, #tpu.memory_space<vmem>>) semaphore(%arg12 : memref<!tpu.dma_semaphore, #tpu.memory_space<semaphore_mem>>)
      %add3A_133 = arith.constant 1 : i32
      %add3A_134 = arith.addi %mul3A_46, %add3A_133 : i32
      %mul3A_135 = arith.constant 128 : i32
      %mul3A_136 = arith.muli %add3A_134, %mul3A_135 : i32
      %add3A_137 = arith.addi %mul3A_2, %mul3A_136 : i32
      "tpu.region"() ({
        %run_scoped3A_138 = tpu.sem_alloc : memref<!tpu.dma_semaphore, #tpu.memory_space<semaphore_mem>>
        %dma_start3A_139 = arith.constant 0 : i32
        %dma_start3A_140 = tpu.memref_slice %arg5[%add3A_137, %dma_start3A_139] : memref<819200x300xf32, #tpu.memory_space<hbm>> -> memref<128x300xf32, #tpu.memory_space<hbm>>
        %dma_start3A_141 = arith.constant 0 : i32
        %dma_start3A_142 = tpu.memref_slice %arg5[%add3A_137, %dma_start3A_141] : memref<819200x300xf32, #tpu.memory_space<hbm>> -> memref<128x300xf32, #tpu.memory_space<hbm>>
        tpu.enqueue_dma source(%arg9 : memref<128x300xf32, #tpu.memory_space<vmem>>) target(%dma_start3A_142 : memref<128x300xf32, #tpu.memory_space<hbm>>) target_semaphore(%run_scoped3A_138 : memref<!tpu.dma_semaphore, #tpu.memory_space<semaphore_mem>>)
        %dma_wait3A_143 = arith.constant 0 : i32
        %dma_wait3A_144 = tpu.memref_slice %arg5[%add3A_137, %dma_wait3A_143] : memref<819200x300xf32, #tpu.memory_space<hbm>> -> memref<128x300xf32, #tpu.memory_space<hbm>>
        %dma_wait3A_145 = arith.constant 0 : i32
        %dma_wait3A_146 = tpu.memref_slice %arg5[%add3A_137, %dma_wait3A_145] : memref<819200x300xf32, #tpu.memory_space<hbm>> -> memref<128x300xf32, #tpu.memory_space<hbm>>
        tpu.wait_dma2 semaphore(%run_scoped3A_138 : memref<!tpu.dma_semaphore, #tpu.memory_space<semaphore_mem>>) src(%arg9 : memref<128x300xf32, #tpu.memory_space<vmem>>) dst(%dma_wait3A_146 : memref<128x300xf32, #tpu.memory_space<hbm>>)
        tpu.yield
      }) : () -> ()
    }
    %scan3A_27 = arith.constant 100 : i32
    %dma_wait3A = arith.constant 0 : i32
    %dma_wait3A_28 = arith.constant 0 : i32
    %dma_wait3A_29 = tpu.memref_slice %arg8[%dma_wait3A, %dma_wait3A_28] : memref<128x300xf32, #tpu.memory_space<vmem>> -> memref<128x256xf32, #tpu.memory_space<vmem>>
    %dma_wait3A_30 = arith.constant 0 : i32
    %dma_wait3A_31 = arith.constant 0 : i32
    %dma_wait3A_32 = tpu.memref_slice %arg3[%dma_wait3A_30, %dma_wait3A_31] : memref<100001x300xf32, #tpu.memory_space<hbm>> -> memref<100001x256xf32, #tpu.memory_space<hbm>>
    tpu.wait_indirect_dma semaphore(%arg12 : memref<!tpu.dma_semaphore, #tpu.memory_space<semaphore_mem>>) src(%dma_wait3A_32 : memref<100001x256xf32, #tpu.memory_space<hbm>>) dst(%dma_wait3A_29 : memref<128x256xf32, #tpu.memory_space<vmem>>)
    %dma_wait3A_33 = arith.constant 0 : i32
    %dma_wait3A_34 = arith.constant 0 : i32
    %dma_wait3A_35 = tpu.memref_slice %arg4[%dma_wait3A_33, %dma_wait3A_34] : memref<100001x128xf32, #tpu.memory_space<hbm>> -> memref<100001x128xf32, #tpu.memory_space<hbm>>
    tpu.wait_indirect_dma semaphore(%arg12 : memref<!tpu.dma_semaphore, #tpu.memory_space<semaphore_mem>>) src(%dma_wait3A_35 : memref<100001x128xf32, #tpu.memory_space<hbm>>) dst(%arg10 : memref<128x128xf32, #tpu.memory_space<vmem>>)
    %dma_wait3A_36 = arith.constant 0 : i32
    %dma_wait3A_37 = arith.constant 0 : i32
    %dma_wait3A_38 = arith.constant 0 : i32
    %dma_wait3A_39 = tpu.memref_slice %arg2[%dma_wait3A_36, %dma_wait3A_37, %dma_wait3A_38] : memref<32x200x128xi32, #tpu.memory_space<hbm>> -> memref<1x1x128xi32, #tpu.memory_space<hbm>>
    %dma_wait3A_40 = tpu.memref_squeeze %dma_wait3A_39 : memref<1x1x128xi32, #tpu.memory_space<hbm>> -> memref<128xi32, #tpu.memory_space<hbm>>
    %dma_wait3A_41 = arith.constant 0 : i32
    %dma_wait3A_42 = tpu.memref_slice %arg2[%dma_wait3A_36, %dma_wait3A_37, %dma_wait3A_41] : memref<32x200x128xi32, #tpu.memory_space<hbm>> -> memref<1x1x128xi32, #tpu.memory_space<hbm>>
    %dma_wait3A_43 = tpu.memref_squeeze %dma_wait3A_42 : memref<1x1x128xi32, #tpu.memory_space<hbm>> -> memref<128xi32, #tpu.memory_space<hbm>>
    tpu.wait_dma2 semaphore(%arg11 : memref<!tpu.dma_semaphore, #tpu.memory_space<semaphore_mem>>) src(%dma_wait3A_43 : memref<128xi32, #tpu.memory_space<hbm>>) dst(%arg7 : memref<128xi32, #tpu.memory_space<vmem>>)
    return
  }
}

</mosaic_0001>

<sc_bundles>
// kernel: kernel.3.cloned.1.call-start
scs
__scs_entry_jumppad:
0x0: {  	(pc) =	sbr.rel $0x88, $3  }
0x1: {  	(tag) =	ssettag $0x0;
	lr =	simm.s32 $0x1  }
0x2: {  	[smem:$0x3F9F] =	sst lr;
	_ =	strace $0xD0000000  }
0x3: {  	_ = 	snop  }
0x4: {  	_ = 	snop  }
0x5: {  	_ = 	snop  }
0x6: {  	_ = 	snop  }
0x7: {  	_ = 	snop  }
__scs_overlays_trampoline_lowered:
0x8: {  	[smem:$0x3FAE] =	sst s0  }
0x9: {  	[smem:$0x3FAF] =	sst s1  }
0xa: {  	[smem:$0x3FB0] =	sst s2  }
0xb: {  	[smem:$0x3FB1] =	sst s3  }
0xc: {  	[smem:$0x3FB2] =	sst s4  }
0xd: {  	[smem:$0x3FB3] =	sst s5  }
0xe: {  	[smem:$0x3FB4] =	sst s6  }
0xf: {  	[smem:$0x3FB5] =	sst s7  }
0x10: {  	[smem:$0x3FB6] =	sst s8  }
0x11: {  	[smem:$0x3FB7] =	sst s9;
	s0 =	simm.s32 @!p0 $0x0  }
0x12: {  	s1 =	sld [smem:$0x3F9D];
	s0 =	simm.s32 @p0 $0x1  }
0x13: {  	[smem:$0x3FB8] =	sst s0;
	s0 =	simm.s32 @!p1 $0x0  }
0x14: {  	s2 =	sld [smem:$0x3F9C];
	s0 =	simm.s32 @p1 $0x1  }
0x15: {  	[smem:$0x3FB9] =	sst s0;
	s0 =	simm.s32 @!p2 $0x0  }
0x16: {  	s3 =	sld [smem:$0x3FDB];
	s0 =	simm.s32 @p2 $0x1  }
0x17: {  	s4 =	simm.s32 $0x1BF5;
	[smem:$0x3FBB] =	sst s0  }
0x18: {  	s0 =	sld [smem:$0x3F9E];
	_ =	swait.ge [sflag:s4], $0x0  }
0x19: {  	s7 =	sld [smem:$0x3F9F]  }
0x1a: {  	s8 =	sadd.s32 $0xFFFFE003, lr  }
0x1b: {  	s9 =	sadd.s32 $0xFFFFFEF7, lr;
	s5 =	simm.s32 $0xFFFFFFFF;
	p2 =	slt.u32 s8, $0xFFFFF086  }
0x1c: {  	p1 =	slt.u32 s9, $0xF7A;
	s5 =	simm.s32 @!p2 $0x0  }
0x1d: {  	s5 =	simm.s32 @p1 $0x1;
	p0 =	seq.s32 s7, s2  }
0x1e: {  	s7 =	smul.u32 @!p0 $0xF7A, s2;
	p2 =	seq.s32 @!p0 s5, $0x0  }
0x1f: {  	s9 =	smul.u32 $0xF7A, s1;
	s8 =	simm.s32 @!p0 $0x1BF5;
	p2 =	por !p2, p0  }
0x20: {  	[sflag:s8] =	ssyncset.s32 @!p0 $0xFFFFF086;
	s6 =	sadd.s32 @!p0 s3, s7;
	s7 =	simm.s32 @!p0 $0x108  }
0x21: {  	s3 =	sadd.s32 s3, s9;
	s6 =	sadd.s32 @!p0 $0x88, s6;
	s7 =	simm.s32 @p2 $0x1082  }
0x22: {  	[simem:s7], [sflag:s8] =	dma.local @!p0 [hbm:s6], $0xF7A  }
0x23: {  	s9 =	sor.u32 $0xD0000000, s2;
	s6 =	simm.s32 $0x108;
	_ =	swait.ge @!p0 [sflag:s8], $0x0  }
0x24: {  	s3 =	sadd.s32 $0x88, s3;
	s6 =	simm.s32 @!p1 $0x1082;
	[sflag:s4] =	ssyncset.s32 $0xFFFFF086  }
0x25: {  	[simem:s6], [sflag:s4] =	dma.local [hbm:s3], $0xF7A  }
0x26: {  	[smem:$0x3F9F] =	sst s1;
	(tag) =	ssettag s2;
	_ =	strace s9  }
0x27: {  	s1 =	sld [smem:$0x3FAF]  }
0x28: {  	s2 =	sld [smem:$0x3FB0]  }
0x29: {  	s4 =	sld [smem:$0x3FB2]  }
0x2a: {  	p0 =	seq.s32 s5, $0x0;
	s5 =	sld [smem:$0x3FB3]  }
0x2b: {  	s6 =	sld [smem:$0x3FB4]  }
0x2c: {  	s7 =	sld [smem:$0x3FB5]  }
0x2d: {  	s3 =	simm.s32 $0x108;
	s8 =	sld [smem:$0x3FB6]  }
0x2e: {  	s3 =	simm.s32 @!p0 $0x1082;
	s9 =	sld [smem:$0x3FB7]  }
0x2f: {  	lr =	sadd.s32 s0, s3;
	s0 =	sld [smem:$0x3FAE]  }
0x30: {  	s3 =	sld [smem:$0x3FB1]  }
0x31: {  	[smem:$0x3FBA] =	sst s10  }
0x32: {  	s10 =	sld [smem:$0x3FB8];
	_ =	sdelay $0x3  }
0x33: {  	p0 =	seq.s32 s10, $0x1;
	s10 =	sld [smem:$0x3FBA];
	_ =	sdelay $0x3  }
0x34: {  	[smem:$0x3FBA] =	sst s10  }
0x35: {  	s10 =	sld [smem:$0x3FB9];
	_ =	sdelay $0x3  }
0x36: {  	p1 =	seq.s32 s10, $0x1;
	s10 =	sld [smem:$0x3FBA];
	_ =	sdelay $0x3  }
0x37: {  	[smem:$0x3FBA] =	sst s10  }
0x38: {  	s10 =	sld [smem:$0x3FBB]  }
0x39: {  	_ = 	snop;
	(pc) =	sbr.ind lr, $3  }
0x3a: {  	_ = 	snop  }
0x3b: {  	_ = 	snop  }
0x3c: {  	p2 =	seq.s32 s10, $0x1;
	s10 =	sld [smem:$0x3FBA]  }
0x3d: {  	_ =	shalt  }
0x3e: {  	_ =	shalt  }
0x3f: {  	_ =	shalt  }
0x40: {  	_ =	shalt  }
0x41: {  	_ =	shalt  }
0x42: {  	_ =	shalt  }
0x43: {  	_ =	shalt  }
0x44: {  	_ =	shalt  }
0x45: {  	_ =	shalt  }
0x46: {  	_ =	shalt  }
0x47: {  	_ =	shalt  }
0x48: {  	_ =	shalt  }
0x49: {  	_ =	shalt  }
0x4a: {  	_ =	shalt  }
0x4b: {  	_ =	shalt  }
0x4c: {  	_ =	shalt  }
0x4d: {  	_ =	shalt  }
0x4e: {  	_ =	shalt  }
0x4f: {  	_ =	shalt  }
0x50: {  	_ =	shalt  }
0x51: {  	_ =	shalt  }
0x52: {  	_ =	shalt  }
0x53: {  	_ =	shalt  }
0x54: {  	_ =	shalt  }
0x55: {  	_ =	shalt  }
0x56: {  	_ =	shalt  }
0x57: {  	_ =	shalt  }
0x58: {  	_ =	shalt  }
0x59: {  	_ =	shalt  }
0x5a: {  	_ =	shalt  }
0x5b: {  	_ =	shalt  }
0x5c: {  	_ =	shalt  }
0x5d: {  	_ =	shalt  }
0x5e: {  	_ =	shalt  }
0x5f: {  	_ =	shalt  }
0x60: {  	_ =	shalt  }
0x61: {  	_ =	shalt  }
0x62: {  	_ =	shalt  }
0x63: {  	_ =	shalt  }
0x64: {  	_ =	shalt  }
0x65: {  	_ =	shalt  }
0x66: {  	_ =	shalt  }
0x67: {  	_ =	shalt  }
0x68: {  	_ =	shalt  }
0x69: {  	_ =	shalt  }
0x6a: {  	_ =	shalt  }
0x6b: {  	_ =	shalt  }
0x6c: {  	_ =	shalt  }
0x6d: {  	_ =	shalt  }
0x6e: {  	_ =	shalt  }
0x6f: {  	_ =	shalt  }
0x70: {  	_ =	shalt  }
0x71: {  	_ =	shalt  }
0x72: {  	_ =	shalt  }
0x73: {  	_ =	shalt  }
0x74: {  	_ =	shalt  }
0x75: {  	_ =	shalt  }
0x76: {  	_ =	shalt  }
0x77: {  	_ =	shalt  }
0x78: {  	_ =	shalt  }
0x79: {  	_ =	shalt  }
0x7a: {  	_ =	shalt  }
0x7b: {  	_ =	shalt  }
0x7c: {  	_ =	shalt  }
0x7d: {  	_ =	shalt  }
0x7e: {  	_ =	shalt  }
0x7f: {  	_ =	shalt  }
0x80: {  	_ =	shalt  }
0x81: {  	_ =	shalt  }
0x82: {  	_ =	shalt  }
0x83: {  	_ =	shalt  }
0x84: {  	_ =	shalt  }
0x85: {  	_ =	shalt  }
0x86: {  	_ =	shalt  }
0x87: {  	_ =	shalt  }
.Lfunc_end0:
.L_simem_size_0:
called_computation.1_lowered:
.L_overlay_start_0:
0x88: {  	s2 =	sld [smem:$0x3FD9]  }
0x89: {  	s3 =	sld [smem:$0x3FFE];
	_ =	sdelay $0x1  }
0x8a: {  	s1 =	srdreg.scid  }
0x8b: {  	s0 =	sand.u32 $0x1, s1  }
0x8c: {  	s17 =	sshll.u32 s0, $0xA;
	s2 =	sadd.s32 s3, s2  }
0x8d: {  	s2 =	sadd.s32 s2, s17  }
0x8e: {  	[smem:$0x3FC6] =	sst s2  }
0x8f: {  	_ = 	snop  }
0x90: {  	s2 =	sld [smem:$0x3FD0];
	(tm) =	ssettm $0x1  }
0x91: {  	s18 =	sld [smem:$0x3FFB];
	_ =	sdelay $0x3  }
0x92: {  	_ =	strace s18  }
0x93: {  	s3 =	sld [smem:$0x3FFC];
	_ =	sdelay $0x3  }
0x94: {  	_ =	strace s3  }
0x95: {  	s3 =	sld [smem:$0x3FFD];
	_ =	sdelay $0x3  }
0x96: {  	_ =	strace s3  }
0x97: {  	_ =	strace $0x8FFFFFFF  }
0x98: {  	s19 =	sld [smem:$0x3FDB];
	_ =	sdelay $0x1  }
0x99: {  	s4 =	simm.s32 $_scs_section_size  }
0x9a: {  	s5 =	simm.s32 $_size__tile_overlayer_lowered;
	s6 =	simm.s32 $_tile_overlayer_lowered  }
0x9b: {  	s22 =	simm.s32 $0x1BFF;
	s21 =	sshll.u32 s6, $0x1;
	s3 =	sadd.s32 s4, s19  }
0x9c: {  	s7 =	simm.s32 $0x0;
	s20 =	sshll.u32 s5, $0x1;
	s5 =	sadd.s32 s21, s3  }
0x9d: {  	[timem:s7], [sflag:s22] =	dma.local [hbm:s5], s20  }
0x9e: {  	_ =	swait.ge [sflag:s22], s20  }
0x9f: {  	s4 =	ssub.s32 $0x0, s20;
	[sflag:s22] =	ssyncset.done $0x0  }
0xa0: {  	[sflag:s22] =	ssyncadd.s32 s4;
	_ =	sdelay $0x1  }
0xa1: {  	s23 =	simm.s32 $0x1B8B  }
0xa2: {  	_ =	swait.ge [sflag:s23], $0x1  }
0xa3: {  	[sflag:s23] =	ssyncset.done $0x0  }
0xa4: {  	s25 =	simm.s32 $0x1B8E;
	s24 =	sld [smem:$0x3FFE];
	[sflag:s23] =	ssyncadd.s32 $0xFFFFFFFF  }
0xa5: {  	s26 =	simm.s32 $execute0_lowered;
	[smem:$0x3FD2] =	sst s25  }
0xa6: {  	s5 =	sshll.u32 s26, $0x1;
	_ =	strace $0x80000046;
	[dreg:$0x1] =	wrdreg $0xFFFFFFFF  }
0xa7: {  	s28 =	simm.s32 $_size_execute0_lowered;
	s3 =	sadd.s32 s3, s5;
	[dreg:$0x0] =	wrdreg $0x0  }
0xa8: {  	s5 =	sshll.u32 s28, $0x1;
	[dreg:$0x2] =	wrdreg s3  }
0xa9: {  	[dreg:$0x3] =	wrdreg s5  }
0xaa: {  	[dreg:$0x4] =	wrdreg $0xC0  }
0xab: {  	_ =	task [dreg:s7], $0x5FFFF  }
0xac: {  	[dreg:$0x1] =	wrdreg $0xFFFFFFFF  }
0xad: {  	[dreg:$0x0] =	wrdreg $0x60  }
0xae: {  	[dreg:$0x2] =	wrdreg s24  }
0xaf: {  	[dreg:$0x3] =	wrdreg s2  }
0xb0: {  	[dreg:$0x4] =	wrdreg $0x9  }
0xb1: {  	_ =	task.clear_ibuf [dreg:s7], $0x5FFFF;
	_ =	strace $0x90000046  }
0xb2: {  	s29 =	simm.s32 $0x9;
	_ =	strace $0x80000048  }
0xb3: {  	_ =	swait.ge [sflag:s29], $0x1  }
0xb4: {  	[sflag:s29] =	ssyncadd.s32 $0xFFFFFFFF  }
0xb5: {  	_ =	strace $0x90000048  }
0xb6: {  	_ =	sfence  }
0xb7: {  	s30 =	sld [smem:$0x0];
	_ =	sdelay $0x2  }
0xb8: {  	s31 =	sshll.u32 s1, $0xD;
	s1 =	sshrl.u32 s1, $0x2  }
0xb9: {  	s3 =	sand.u32 $0x4000, s31;
	s1 =	sadd.s32 s1, s30  }
0xba: {  	s0 =	sor.u32 s3, s0;
	s1 =	sshll.u32 s1, $0x11  }
0xbb: {  	s0 =	sor.u32 s1, s0  }
0xbc: {  	s0 =	sadd.s32 $0x8F2B, s0  }
0xbd: {  	[sflag:s0] =	ssyncadd.remote.s32 $0x1  }
0xbe: {  	_ =	sfence.sel $0xFFFF  }
0xbf: {  	[dreg:$0x0] =	wrdreg $0xFFFFFFFF;
	(pc) =	sbr.abs _section_cstart, $3  }
0xc0: {  	[dreg:$0x1] =	wrdreg $0xFFFFFFFF  }
0xc1: {  	_ =	task.clear_ibuf [dreg:s7], $0x2FFFF;
	_ =	strace $0x9FFFFFFF  }
0xc2: {  	(tm) =	ssettm $0x7FFFFFFF  }
0xc3: {  	_ =	shalt  }
tec
execute0_lowered:
.L_overlay_start_1:
0x0: {  	(tag) =	ssettag $0x1  }
0x1: {  	s0 =	rddreg [dreg:$0x0];
	s1 =	srdreg.scid  }
0x2: {  	s3 =	stileid.u32;
	s2 =	rddreg [dreg:$0x1]  }
0x3: {  	s12 =	simm.s32 $0x3;
	s13 =	simm.s32 $0x100;
	s24 =	simm.s32 $0x8500  }
0x4: {  	s28 =	simm.s32 $0xA900;
	s29 =	simm.s32 $0xB500;
	s30 =	simm.s32 $0x80  }
0x5: {  	s31 =	simm.s32 $0x18100;
	s9 =	simm.s32 $0xC100;
	s15 =	simm.s32 $0x16900  }
0x6: {  	s16 =	simm.s32 $0x17500;
	s11 =	simm.s32 $0x0;
	s1 =	sand.u32 $0x1, s1  }
0x7: {  	s4 =	sshll.u32 s3, $0x1;
	s3 =	simm.s32 $0x0;
	s5 =	sadd.s32 $0x800, s0  }
0x8: {  	s6 =	sadd.s32 $0x1A0400, s0;
	s4 =	sor.u32 s1, s4;
	s1 =	ssub.s32 $0x2, s1  }
0x9: {  	[smem:$0x7FF] =	sst s3;
	s4 =	smul.u32 $0x6400, s4;
	s25 =	sshrl.u32 s1, $0x1  }
0xa: {  	s7 =	sadd.s32 $0x327000, s0;
	_ =	strace $0x80000047;
	s0 =	ssub.s32 s1, s25  }
0xb: {  	s25 =	simm.s32 $0x9100;
	s8 =	sshrl.u32 s4, $0x3;
	s0 =	smax.u32 s0, $0x1  }
0xc: {  	v4 =	vlaneseq.u32;
	vm0 =	vmmov $0xffff;
	s1 =	simm.s32 $0x2;
	s8 =	sadd.s32 s5, s8;
	[dreg:$0x5] =	wrdreg s0  }
0xd: {  	v1 =	vshrl.u32 v4, $0x3;
	v0 =	vand.u32 $0x7, v4;
	v2 =	vor.u32 $0x8, v4;
	s10 =	sor.u32 $0x80, s4;
	[dreg:$0x3] =	wrdreg s8;
	s26 =	sadd.s32 $0x10, s8  }
0xe: {  	v3 =	vor.u32 $0x20, v4;
	v4 =	vor.u32 $0x820, v4;
	v1 =	vmul.u32 $0x8, v1;
	s0 =	simm.s32 $0x1;
	[dreg:$0x4] =	wrdreg s26;
	s26 =	simm.s32 $0x9D00  }
.LBB2_1:
0xf: {  	[dreg:$0x6] =	wrdreg s11  }
0x10: {  	s8 =	rddreg [dreg:$0x3]  }
0x11: {  	[tilespmem:s3], [sflag:$0x3] =	stream.linear.gather [hbm4b:s8+s3], $0x80, $0x38;
	[tilespmem:$0x1C100] =	vst v63  }
0x12: {  	_ =	swait.ge [sflag:s12], $0x80  }
0x13: {  	[sflag:s12] =	ssyncset.done $0x0  }
0x14: {  	[sflag:s12] =	ssyncadd.s32 $0xFFFFFF80  }
0x15: {  	v5 =	vld [tilespmem:$0x0];
	_ =	sdelay $0x4  }
0x16: {  	v6 =	vshrl.u32 v5, $0x3  }
0x17: {  	v6 =	vmul.u32 $0x18, v6  }
0x18: {  	v5 =	vand.u32 $0x7, v5  }
0x19: {  	v5 =	vor.u32 v5, v6  }
0x1a: {  	v6 =	vperm.xlane v5, v0;
	_ =	sdelay $0x1  }
0x1b: {  	v5 =	vperm.xlane v5, v2;
	v6 =	vadd.s32 v1, v6;
	_ =	sdelay $0x1  }
0x1c: {  	v5 =	vadd.s32 v1, v5;
	_ =	sdelay $0x2  }
0x1d: {  	[tilespmem:s13], [sflag:$0x2] =	stream.indirect_vreg.gather [hbm4b:s2+s3], $0x80, v6, vm0, $0xb8;
	[tilespmem:$0x1C100] =	vst v63  }
0x1e: {  	s22 =	simm.s32 $0xD00  }
0x1f: {  	[tilespmem:s22], [sflag:$0x2] =	stream.indirect_vreg.gather [hbm4b:s2+s3], $0x80, v5, vm0, $0xb8;
	[tilespmem:$0x1C100] =	vst v63  }
0x20: {  	v5 =	vld [tilespmem:$0x10];
	_ =	sdelay $0x4  }
0x21: {  	v6 =	vshrl.u32 v5, $0x3  }
0x22: {  	v6 =	vmul.u32 $0x18, v6  }
0x23: {  	v5 =	vand.u32 $0x7, v5  }
0x24: {  	v5 =	vor.u32 v5, v6  }
0x25: {  	v6 =	vperm.xlane v5, v0;
	_ =	sdelay $0x1  }
0x26: {  	v5 =	vperm.xlane v5, v2;
	v6 =	vadd.s32 v1, v6;
	_ =	sdelay $0x1  }
0x27: {  	v5 =	vadd.s32 v1, v5;
	_ =	sdelay $0x1  }
0x28: {  	s23 =	simm.s32 $0x1900  }
0x29: {  	[tilespmem:s23], [sflag:$0x2] =	stream.indirect_vreg.gather [hbm4b:s2+s3], $0x80, v6, vm0, $0xb8;
	[tilespmem:$0x1C100] =	vst v63  }
0x2a: {  	s11 =	simm.s32 $0x2500  }
0x2b: {  	[tilespmem:s11], [sflag:$0x2] =	stream.indirect_vreg.gather [hbm4b:s2+s3], $0x80, v5, vm0, $0xb8;
	[tilespmem:$0x1C100] =	vst v63  }
0x2c: {  	v5 =	vld [tilespmem:$0x20];
	_ =	sdelay $0x4  }
0x2d: {  	v6 =	vshrl.u32 v5, $0x3  }
0x2e: {  	v6 =	vmul.u32 $0x18, v6  }
0x2f: {  	v5 =	vand.u32 $0x7, v5  }
0x30: {  	v5 =	vor.u32 v5, v6  }
0x31: {  	v6 =	vperm.xlane v5, v0;
	_ =	sdelay $0x1  }
0x32: {  	v5 =	vperm.xlane v5, v2;
	v6 =	vadd.s32 v1, v6;
	_ =	sdelay $0x1  }
0x33: {  	v5 =	vadd.s32 v1, v5;
	_ =	sdelay $0x1  }
0x34: {  	s14 =	simm.s32 $0x3100  }
0x35: {  	[tilespmem:s14], [sflag:$0x2] =	stream.indirect_vreg.gather [hbm4b:s2+s3], $0x80, v6, vm0, $0xb8;
	[tilespmem:$0x1C100] =	vst v63  }
0x36: {  	s17 =	simm.s32 $0x3D00  }
0x37: {  	[tilespmem:s17], [sflag:$0x2] =	stream.indirect_vreg.gather [hbm4b:s2+s3], $0x80, v5, vm0, $0xb8;
	[tilespmem:$0x1C100] =	vst v63  }
0x38: {  	v5 =	vld [tilespmem:$0x30];
	_ =	sdelay $0x4  }
0x39: {  	v6 =	vshrl.u32 v5, $0x3  }
0x3a: {  	v6 =	vmul.u32 $0x18, v6  }
0x3b: {  	v5 =	vand.u32 $0x7, v5  }
0x3c: {  	v5 =	vor.u32 v5, v6  }
0x3d: {  	v6 =	vperm.xlane v5, v0;
	_ =	sdelay $0x1  }
0x3e: {  	v5 =	vperm.xlane v5, v2;
	v6 =	vadd.s32 v1, v6;
	_ =	sdelay $0x1  }
0x3f: {  	v5 =	vadd.s32 v1, v5;
	_ =	sdelay $0x1  }
0x40: {  	s18 =	simm.s32 $0x4900  }
0x41: {  	[tilespmem:s18], [sflag:$0x2] =	stream.indirect_vreg.gather [hbm4b:s2+s3], $0x80, v6, vm0, $0xb8;
	[tilespmem:$0x1C100] =	vst v63  }
0x42: {  	s19 =	simm.s32 $0x5500  }
0x43: {  	[tilespmem:s19], [sflag:$0x2] =	stream.indirect_vreg.gather [hbm4b:s2+s3], $0x80, v5, vm0, $0xb8;
	[tilespmem:$0x1C100] =	vst v63  }
0x44: {  	v5 =	vld [tilespmem:$0x40];
	_ =	sdelay $0x4  }
0x45: {  	v6 =	vshrl.u32 v5, $0x3  }
0x46: {  	v6 =	vmul.u32 $0x18, v6  }
0x47: {  	v5 =	vand.u32 $0x7, v5  }
0x48: {  	v5 =	vor.u32 v5, v6  }
0x49: {  	v6 =	vperm.xlane v5, v0;
	_ =	sdelay $0x1  }
0x4a: {  	v5 =	vperm.xlane v5, v2;
	v6 =	vadd.s32 v1, v6;
	_ =	sdelay $0x1  }
0x4b: {  	v5 =	vadd.s32 v1, v5;
	_ =	sdelay $0x1  }
0x4c: {  	s20 =	simm.s32 $0x6100  }
0x4d: {  	[tilespmem:s20], [sflag:$0x2] =	stream.indirect_vreg.gather [hbm4b:s2+s3], $0x80, v6, vm0, $0xb8;
	[tilespmem:$0x1C100] =	vst v63  }
0x4e: {  	s21 =	simm.s32 $0x6D00  }
0x4f: {  	[tilespmem:s21], [sflag:$0x2] =	stream.indirect_vreg.gather [hbm4b:s2+s3], $0x80, v5, vm0, $0xb8;
	[tilespmem:$0x1C100] =	vst v63  }
0x50: {  	v5 =	vld [tilespmem:$0x50];
	_ =	sdelay $0x4  }
0x51: {  	v6 =	vshrl.u32 v5, $0x3  }
0x52: {  	v6 =	vmul.u32 $0x18, v6  }
0x53: {  	v5 =	vand.u32 $0x7, v5  }
0x54: {  	v5 =	vor.u32 v5, v6  }
0x55: {  	v6 =	vperm.xlane v5, v0;
	_ =	sdelay $0x1  }
0x56: {  	v5 =	vperm.xlane v5, v2;
	v6 =	vadd.s32 v1, v6;
	_ =	sdelay $0x1  }
0x57: {  	v5 =	vadd.s32 v1, v5;
	_ =	sdelay $0x1  }
0x58: {  	s22 =	simm.s32 $0x7900  }
0x59: {  	[tilespmem:s22], [sflag:$0x2] =	stream.indirect_vreg.gather [hbm4b:s2+s3], $0x80, v6, vm0, $0xb8;
	[tilespmem:$0x1C100] =	vst v63  }
0x5a: {  	_ = 	snop  }
0x5b: {  	[tilespmem:s24], [sflag:$0x2] =	stream.indirect_vreg.gather [hbm4b:s2+s3], $0x80, v5, vm0, $0xb8;
	[tilespmem:$0x1C100] =	vst v63  }
0x5c: {  	v5 =	vld [tilespmem:$0x60];
	_ =	sdelay $0x4  }
0x5d: {  	v6 =	vshrl.u32 v5, $0x3  }
0x5e: {  	v6 =	vmul.u32 $0x18, v6  }
0x5f: {  	v5 =	vand.u32 $0x7, v5  }
0x60: {  	v5 =	vor.u32 v5, v6  }
0x61: {  	v6 =	vperm.xlane v5, v0;
	_ =	sdelay $0x1  }
0x62: {  	v5 =	vperm.xlane v5, v2;
	v6 =	vadd.s32 v1, v6;
	_ =	sdelay $0x1  }
0x63: {  	v5 =	vadd.s32 v1, v5;
	_ =	sdelay $0x2  }
0x64: {  	[tilespmem:s25], [sflag:$0x2] =	stream.indirect_vreg.gather [hbm4b:s2+s3], $0x80, v6, vm0, $0xb8;
	[tilespmem:$0x1C100] =	vst v63  }
0x65: {  	_ = 	snop  }
0x66: {  	[tilespmem:s26], [sflag:$0x2] =	stream.indirect_vreg.gather [hbm4b:s2+s3], $0x80, v5, vm0, $0xb8;
	[tilespmem:$0x1C100] =	vst v63  }
0x67: {  	v5 =	vld [tilespmem:$0x70];
	_ =	sdelay $0x4  }
0x68: {  	v6 =	vshrl.u32 v5, $0x3  }
0x69: {  	v6 =	vmul.u32 $0x18, v6  }
0x6a: {  	v5 =	vand.u32 $0x7, v5  }
0x6b: {  	v5 =	vor.u32 v5, v6  }
0x6c: {  	v6 =	vperm.xlane v5, v0;
	_ =	sdelay $0x1  }
0x6d: {  	v5 =	vperm.xlane v5, v2;
	v6 =	vadd.s32 v1, v6;
	_ =	sdelay $0x1  }
0x6e: {  	v5 =	vadd.s32 v1, v5;
	_ =	sdelay $0x2  }
0x6f: {  	[tilespmem:s28], [sflag:$0x2] =	stream.indirect_vreg.gather [hbm4b:s2+s3], $0x80, v6, vm0, $0xb8;
	[tilespmem:$0x1C100] =	vst v63  }
0x70: {  	_ = 	snop  }
0x71: {  	[tilespmem:s29], [sflag:$0x2] =	stream.indirect_vreg.gather [hbm4b:s2+s3], $0x80, v5, vm0, $0xb8;
	[tilespmem:$0x1C100] =	vst v63  }
0x72: {  	_ = 	snop  }
0x73: {  	[tilespmem:s31], [sflag:$0x2] =	stream.indirect.gather [hbm4b:s6+s30], $0x80, s3, s30, $0xb8;
	[tilespmem:$0x1C100] =	vst v63  }
0x74: {  	s23 =	rddreg [dreg:$0x4];
	s17 =	simm.s32 $0x0  }
0x75: {  	[tilespmem:s30], [sflag:$0x1] =	stream.linear.gather [hbm4b:s23+s3], $0x80, $0x38;
	[tilespmem:$0x1C100] =	vst v63  }
.LBB2_2:
0x76: {  	_ =	swait.ge [sflag:s1], $0x8000  }
0x77: {  	[sflag:s1] =	ssyncset.done $0x0  }
0x78: {  	[sflag:s1] =	ssyncadd.s32 $0xFFFF8000  }
0x79: {  	_ =	swait.ge [sflag:s1], $0x4000  }
0x7a: {  	[sflag:s1] =	ssyncset.done $0x0  }
0x7b: {  	[sflag:s1] =	ssyncadd.s32 $0xFFFFC000  }
0x7c: {  	_ =	swait.ge [sflag:s0], $0x80  }
0x7d: {  	[sflag:s0] =	ssyncset.done $0x0  }
0x7e: {  	[sflag:s0] =	ssyncadd.s32 $0xFFFFFF80  }
0x7f: {  	v5 =	vld [tilespmem:$0x80];
	_ =	sdelay $0x4  }
0x80: {  	v6 =	vshrl.u32 v5, $0x3  }
0x81: {  	v6 =	vmul.u32 $0x18, v6  }
0x82: {  	v5 =	vand.u32 $0x7, v5  }
0x83: {  	v5 =	vor.u32 v5, v6  }
0x84: {  	v6 =	vperm.xlane v5, v0;
	_ =	sdelay $0x1  }
0x85: {  	v5 =	vperm.xlane v5, v2;
	v6 =	vadd.s32 v1, v6;
	_ =	sdelay $0x1  }
0x86: {  	v5 =	vadd.s32 v1, v5;
	_ =	sdelay $0x1  }
0x87: {  	s8 =	simm.s32 $0x0  }
0x88: {  	[tilespmem:s9], [sflag:$0x2] =	stream.indirect_vreg.gather [hbm4b:s2+s8], $0x80, v6, vm0, $0xb8;
	[tilespmem:$0x1C100] =	vst v63  }
0x89: {  	s11 =	simm.s32 $0xCD00  }
0x8a: {  	[tilespmem:s11], [sflag:$0x2] =	stream.indirect_vreg.gather [hbm4b:s2+s8], $0x80, v5, vm0, $0xb8;
	[tilespmem:$0x1C100] =	vst v63  }
0x8b: {  	v5 =	vld [tilespmem:$0x90];
	_ =	sdelay $0x4  }
0x8c: {  	v6 =	vshrl.u32 v5, $0x3  }
0x8d: {  	v6 =	vmul.u32 $0x18, v6  }
0x8e: {  	v5 =	vand.u32 $0x7, v5  }
0x8f: {  	v5 =	vor.u32 v5, v6  }
0x90: {  	v6 =	vperm.xlane v5, v0;
	_ =	sdelay $0x1  }
0x91: {  	v5 =	vperm.xlane v5, v2;
	v6 =	vadd.s32 v1, v6;
	_ =	sdelay $0x1  }
0x92: {  	v5 =	vadd.s32 v1, v5;
	_ =	sdelay $0x1  }
0x93: {  	s22 =	simm.s32 $0xD900  }
0x94: {  	[tilespmem:s22], [sflag:$0x2] =	stream.indirect_vreg.gather [hbm4b:s2+s8], $0x80, v6, vm0, $0xb8;
	[tilespmem:$0x1C100] =	vst v63  }
0x95: {  	s23 =	simm.s32 $0xE500  }
0x96: {  	[tilespmem:s23], [sflag:$0x2] =	stream.indirect_vreg.gather [hbm4b:s2+s8], $0x80, v5, vm0, $0xb8;
	[tilespmem:$0x1C100] =	vst v63  }
0x97: {  	v5 =	vld [tilespmem:$0xA0];
	_ =	sdelay $0x4  }
0x98: {  	v6 =	vshrl.u32 v5, $0x3  }
0x99: {  	v6 =	vmul.u32 $0x18, v6  }
0x9a: {  	v5 =	vand.u32 $0x7, v5  }
0x9b: {  	v5 =	vor.u32 v5, v6  }
0x9c: {  	v6 =	vperm.xlane v5, v0;
	_ =	sdelay $0x1  }
0x9d: {  	v5 =	vperm.xlane v5, v2;
	v6 =	vadd.s32 v1, v6;
	_ =	sdelay $0x1  }
0x9e: {  	v5 =	vadd.s32 v1, v5;
	_ =	sdelay $0x1  }
0x9f: {  	s14 =	simm.s32 $0xF100  }
0xa0: {  	[tilespmem:s14], [sflag:$0x2] =	stream.indirect_vreg.gather [hbm4b:s2+s8], $0x80, v6, vm0, $0xb8;
	[tilespmem:$0x1C100] =	vst v63  }
0xa1: {  	s18 =	simm.s32 $0xFD00  }
0xa2: {  	[tilespmem:s18], [sflag:$0x2] =	stream.indirect_vreg.gather [hbm4b:s2+s8], $0x80, v5, vm0, $0xb8;
	[tilespmem:$0x1C100] =	vst v63  }
0xa3: {  	v5 =	vld [tilespmem:$0xB0];
	_ =	sdelay $0x4  }
0xa4: {  	v6 =	vshrl.u32 v5, $0x3  }
0xa5: {  	v6 =	vmul.u32 $0x18, v6  }
0xa6: {  	v5 =	vand.u32 $0x7, v5  }
0xa7: {  	v5 =	vor.u32 v5, v6  }
0xa8: {  	v6 =	vperm.xlane v5, v0;
	_ =	sdelay $0x1  }
0xa9: {  	v5 =	vperm.xlane v5, v2;
	v6 =	vadd.s32 v1, v6;
	_ =	sdelay $0x1  }
0xaa: {  	v5 =	vadd.s32 v1, v5;
	_ =	sdelay $0x1  }
0xab: {  	s19 =	simm.s32 $0x10900  }
0xac: {  	[tilespmem:s19], [sflag:$0x2] =	stream.indirect_vreg.gather [hbm4b:s2+s8], $0x80, v6, vm0, $0xb8;
	[tilespmem:$0x1C100] =	vst v63  }
0xad: {  	s20 =	simm.s32 $0x11500  }
0xae: {  	[tilespmem:s20], [sflag:$0x2] =	stream.indirect_vreg.gather [hbm4b:s2+s8], $0x80, v5, vm0, $0xb8;
	[tilespmem:$0x1C100] =	vst v63  }
0xaf: {  	v5 =	vld [tilespmem:$0xC0];
	_ =	sdelay $0x4  }
0xb0: {  	v6 =	vshrl.u32 v5, $0x3  }
0xb1: {  	v6 =	vmul.u32 $0x18, v6  }
0xb2: {  	v5 =	vand.u32 $0x7, v5  }
0xb3: {  	v5 =	vor.u32 v5, v6  }
0xb4: {  	v6 =	vperm.xlane v5, v0;
	_ =	sdelay $0x1  }
0xb5: {  	v5 =	vperm.xlane v5, v2;
	v6 =	vadd.s32 v1, v6;
	_ =	sdelay $0x1  }
0xb6: {  	v5 =	vadd.s32 v1, v5;
	_ =	sdelay $0x1  }
0xb7: {  	s21 =	simm.s32 $0x12100  }
0xb8: {  	[tilespmem:s21], [sflag:$0x2] =	stream.indirect_vreg.gather [hbm4b:s2+s8], $0x80, v6, vm0, $0xb8;
	[tilespmem:$0x1C100] =	vst v63  }
0xb9: {  	s22 =	simm.s32 $0x12D00  }
0xba: {  	[tilespmem:s22], [sflag:$0x2] =	stream.indirect_vreg.gather [hbm4b:s2+s8], $0x80, v5, vm0, $0xb8;
	[tilespmem:$0x1C100] =	vst v63  }
0xbb: {  	v5 =	vld [tilespmem:$0xD0];
	_ =	sdelay $0x4  }
0xbc: {  	v6 =	vshrl.u32 v5, $0x3  }
0xbd: {  	v6 =	vmul.u32 $0x18, v6  }
0xbe: {  	v5 =	vand.u32 $0x7, v5  }
0xbf: {  	v5 =	vor.u32 v5, v6  }
0xc0: {  	v6 =	vperm.xlane v5, v0;
	_ =	sdelay $0x1  }
0xc1: {  	v5 =	vperm.xlane v5, v2;
	v6 =	vadd.s32 v1, v6;
	_ =	sdelay $0x1  }
0xc2: {  	v5 =	vadd.s32 v1, v5;
	_ =	sdelay $0x1  }
0xc3: {  	s23 =	simm.s32 $0x13900  }
0xc4: {  	[tilespmem:s23], [sflag:$0x2] =	stream.indirect_vreg.gather [hbm4b:s2+s8], $0x80, v6, vm0, $0xb8;
	[tilespmem:$0x1C100] =	vst v63  }
0xc5: {  	s14 =	simm.s32 $0x14500  }
0xc6: {  	[tilespmem:s14], [sflag:$0x2] =	stream.indirect_vreg.gather [hbm4b:s2+s8], $0x80, v5, vm0, $0xb8;
	[tilespmem:$0x1C100] =	vst v63  }
0xc7: {  	v5 =	vld [tilespmem:$0xE0];
	_ =	sdelay $0x4  }
0xc8: {  	v6 =	vshrl.u32 v5, $0x3  }
0xc9: {  	v6 =	vmul.u32 $0x18, v6  }
0xca: {  	v5 =	vand.u32 $0x7, v5  }
0xcb: {  	v5 =	vor.u32 v5, v6  }
0xcc: {  	v6 =	vperm.xlane v5, v0;
	_ =	sdelay $0x1  }
0xcd: {  	v5 =	vperm.xlane v5, v2;
	v6 =	vadd.s32 v1, v6;
	_ =	sdelay $0x1  }
0xce: {  	v5 =	vadd.s32 v1, v5;
	_ =	sdelay $0x1  }
0xcf: {  	s18 =	simm.s32 $0x15100  }
0xd0: {  	[tilespmem:s18], [sflag:$0x2] =	stream.indirect_vreg.gather [hbm4b:s2+s8], $0x80, v6, vm0, $0xb8;
	[tilespmem:$0x1C100] =	vst v63  }
0xd1: {  	s19 =	simm.s32 $0x15D00  }
0xd2: {  	[tilespmem:s19], [sflag:$0x2] =	stream.indirect_vreg.gather [hbm4b:s2+s8], $0x80, v5, vm0, $0xb8;
	[tilespmem:$0x1C100] =	vst v63  }
0xd3: {  	v5 =	vld [tilespmem:$0xF0];
	_ =	sdelay $0x4  }
0xd4: {  	v6 =	vshrl.u32 v5, $0x3  }
0xd5: {  	v6 =	vmul.u32 $0x18, v6  }
0xd6: {  	v5 =	vand.u32 $0x7, v5  }
0xd7: {  	v5 =	vor.u32 v5, v6  }
0xd8: {  	s18 =	sshll.u32 s17, $0x1;
	v6 =	vperm.xlane v5, v0  }
0xd9: {  	s20 =	smin.u32 s18, $0xC5  }
0xda: {  	s11 =	sshll.u32 s20, $0x7;
	v5 =	vperm.xlane v5, v2;
	v6 =	vadd.s32 v1, v6  }
0xdb: {  	s11 =	sadd.s32 $0x100, s11  }
0xdc: {  	s14 =	sand.u32 $0xFC00, s11;
	v5 =	vadd.s32 v1, v5  }
0xdd: {  	s11 =	sand.u32 $0x380, s11;
	s14 =	sadd.s32 s4, s14  }
0xde: {  	s11 =	sor.u32 s11, s14  }
0xdf: {  	[tilespmem:s15], [sflag:$0x2] =	stream.indirect_vreg.gather [hbm4b:s2+s8], $0x80, v6, vm0, $0xb8;
	[tilespmem:$0x1C100] =	vst v63  }
0xe0: {  	s11 =	sshrl.u32 s11, $0x3  }
0xe1: {  	[tilespmem:s16], [sflag:$0x2] =	stream.indirect_vreg.gather [hbm4b:s2+s8], $0x80, v5, vm0, $0xb8;
	[tilespmem:$0x1C100] =	vst v63  }
0xe2: {  	s11 =	sadd.s32 s5, s11  }
0xe3: {  	[tilespmem:s8], [sflag:$0x1] =	stream.linear.gather [hbm4b:s11+s8], $0x80, $0x38;
	[tilespmem:$0x1C100] =	vst v63  }
0xe4: {  	s21 =	simm.s32 $0x0;
	s11 =	simm.s32 $0x18200  }
0xe5: {  	s14 =	smul.u32 $0x3000, s21;
	v5 =	vld [tilespmem:s11+$0xFFFFFF00];
	_ =	sdelay $0x1  }
0xe6: {  	s19 =	simm.s32 $0x0;
	s14 =	sshra.s32 s14, $0x2  }
0xe7: {  	s19 =	sand.u32 $0x200, s19;
	s20 =	sadd.s32 $0x900, s14  }
0xe8: {  	s14 =	sor.u32 s19, s20  }
0xe9: {  	[tilespmem:s14+$0x0] =	vst v5  }
0xea: {  	v6 =	vmov s8;
	v5 =	vld [tilespmem:s11+$0xFFFFFF10]  }
0xeb: {  	v7 =	vshrl.u32 v6, $0x3  }
0xec: {  	v6 =	vshll.u32 v6, $0x7;
	v7 =	vmul.u32 $0xC00, v7  }
0xed: {  	v6 =	vand.u32 $0x200, v6  }
0xee: {  	v6 =	vor.u32 v6, v7  }
0xef: {  	[tilespmem:s14+$0x10] =	vst v5;
	v5 =	vor.u32 v3, v6  }
0xf0: {  	v6 =	vld [tilespmem:s11+$0xFFFFFF20];
	v5 =	vadd.s32 $0x800, v5;
	_ =	sdelay $0x4  }
0xf1: {  	[tilespmem:v5+s13+$0x0] =	vst.idx.msk $0xfff, v6  }
0xf2: {  	v5 =	vld [tilespmem:s11+$0xFFFFFF80];
	_ =	sdelay $0x1  }
0xf3: {  	s22 =	simm.s32 $0x80  }
0xf4: {  	s8 =	sand.u32 $0x280, s22  }
0xf5: {  	s8 =	sor.u32 s8, s20  }
0xf6: {  	[tilespmem:s8+$0x0] =	vst v5  }
0xf7: {  	s23 =	simm.s32 $0x1;
	v5 =	vld [tilespmem:s11+$0xFFFFFF90]  }
0xf8: {  	v6 =	vmov s23  }
0xf9: {  	v7 =	vshrl.u32 v6, $0x3  }
0xfa: {  	v6 =	vshll.u32 v6, $0x7;
	v7 =	vmul.u32 $0xC00, v7  }
0xfb: {  	v6 =	vand.u32 $0x280, v6  }
0xfc: {  	[tilespmem:s8+$0x10] =	vst v5;
	v5 =	vor.u32 v6, v7  }
0xfd: {  	v6 =	vld [tilespmem:s11+$0xFFFFFFA0];
	v5 =	vadd.s32 v4, v5;
	_ =	sdelay $0x4  }
0xfe: {  	[tilespmem:v5+s13+$0x0] =	vst.idx.msk $0xfff, v6  }
0xff: {  	v5 =	vld [tilespmem:s11+$0x0];
	_ =	sdelay $0x1  }
0x100: {  	s19 =	simm.s32 $0x100  }
0x101: {  	s8 =	sand.u32 $0x300, s19  }
0x102: {  	s8 =	sadd.s32 s8, s20  }
0x103: {  	[tilespmem:s8+$0x0] =	vst v5  }
0x104: {  	s21 =	simm.s32 $0x2;
	v5 =	vld [tilespmem:s11+$0x10]  }
0x105: {  	v6 =	vmov s21  }
0x106: {  	v7 =	vshrl.u32 v6, $0x3  }
0x107: {  	v6 =	vshll.u32 v6, $0x7;
	v7 =	vmul.u32 $0xC00, v7  }
0x108: {  	v6 =	vand.u32 $0x300, v6  }
0x109: {  	[tilespmem:s8+$0x10] =	vst v5;
	v5 =	vor.u32 v6, v7  }
0x10a: {  	v6 =	vld [tilespmem:s11+$0x20];
	v5 =	vadd.s32 v4, v5;
	_ =	sdelay $0x4  }
0x10b: {  	[tilespmem:v5+s13+$0x0] =	vst.idx.msk $0xfff, v6  }
0x10c: {  	v5 =	vld [tilespmem:s11+$0x80];
	_ =	sdelay $0x1  }
0x10d: {  	s14 =	simm.s32 $0x180  }
0x10e: {  	s22 =	sand.u32 $0x380, s14  }
0x10f: {  	s8 =	sadd.s32 s22, s20  }
0x110: {  	[tilespmem:s8+$0x0] =	vst v5  }
0x111: {  	s23 =	simm.s32 $0x3;
	v5 =	vld [tilespmem:s11+$0x90]  }
0x112: {  	v6 =	vmov s23  }
0x113: {  	v7 =	vshrl.u32 v6, $0x3  }
0x114: {  	v6 =	vshll.u32 v6, $0x7;
	v7 =	vmul.u32 $0xC00, v7  }
0x115: {  	v6 =	vand.u32 $0x380, v6  }
0x116: {  	v6 =	vor.u32 v6, v7;
	[tilespmem:s8+$0x10] =	vst v5  }
0x117: {  	v6 =	vadd.s32 v4, v6;
	v5 =	vld [tilespmem:s11+$0xA0];
	_ =	sdelay $0x2  }
0x118: {  	s19 =	simm.s32 $0x4;
	s21 =	simm.s32 $0x8;
	s11 =	simm.s32 $0x18400  }
.LBB2_3:
0x119: {  	s22 =	sshrl.u32 s19, $0x3  }
0x11a: {  	[tilespmem:v6+s13+$0x0] =	vst.idx.msk $0xfff, v5;
	s14 =	sadd.s32 $0x200, s14;
	s8 =	smov.u32 s21;
	s20 =	sadd.s32 $0x4, s21  }
0x11b: {  	p0 =	slt.u32 s21, $0x7C;
	v5 =	vld [tilespmem:s11+$0xFFFFFF00];
	s21 =	smul.u32 $0x3000, s22;
	_ =	sdelay $0x1  }
0x11c: {  	s22 =	sadd.s32 $0xFFFFFE80, s14;
	s21 =	sshra.s32 s21, $0x2  }
0x11d: {  	s22 =	sand.u32 $0x200, s22;
	s21 =	sadd.s32 $0x900, s21  }
0x11e: {  	s22 =	sor.u32 s22, s21  }
0x11f: {  	[tilespmem:s22+$0x0] =	vst v5  }
0x120: {  	v6 =	vmov s19;
	v5 =	vld [tilespmem:s11+$0xFFFFFF10]  }
0x121: {  	v7 =	vshrl.u32 v6, $0x3;
	v6 =	vshll.u32 v6, $0x7  }
0x122: {  	v7 =	vmul.u32 $0xC00, v7  }
0x123: {  	v6 =	vand.u32 $0x200, v6  }
0x124: {  	v6 =	vor.u32 v6, v7  }
0x125: {  	[tilespmem:s22+$0x10] =	vst v5;
	v5 =	vor.u32 v3, v6  }
0x126: {  	v6 =	vld [tilespmem:s11+$0xFFFFFF20];
	v5 =	vadd.s32 $0x800, v5;
	_ =	sdelay $0x4  }
0x127: {  	[tilespmem:v5+s13+$0x0] =	vst.idx.msk $0xfff, v6  }
0x128: {  	v5 =	vld [tilespmem:s11+$0xFFFFFF80];
	_ =	sdelay $0x1  }
0x129: {  	s22 =	sadd.s32 $0xFFFFFF00, s14  }
0x12a: {  	s22 =	sand.u32 $0x280, s22  }
0x12b: {  	s22 =	sor.u32 s22, s21  }
0x12c: {  	[tilespmem:s22+$0x0] =	vst v5  }
0x12d: {  	s23 =	sadd.s32 $0x1, s19;
	v5 =	vld [tilespmem:s11+$0xFFFFFF90]  }
0x12e: {  	v6 =	vmov s23  }
0x12f: {  	v7 =	vshrl.u32 v6, $0x3;
	v6 =	vshll.u32 v6, $0x7  }
0x130: {  	v7 =	vmul.u32 $0xC00, v7  }
0x131: {  	v6 =	vand.u32 $0x280, v6  }
0x132: {  	[tilespmem:s22+$0x10] =	vst v5;
	v5 =	vor.u32 v6, v7  }
0x133: {  	v6 =	vld [tilespmem:s11+$0xFFFFFFA0];
	v5 =	vadd.s32 v4, v5;
	_ =	sdelay $0x4  }
0x134: {  	[tilespmem:v5+s13+$0x0] =	vst.idx.msk $0xfff, v6  }
0x135: {  	v5 =	vld [tilespmem:s11+$0x0];
	_ =	sdelay $0x1  }
0x136: {  	s22 =	sadd.s32 $0xFFFFFF80, s14  }
0x137: {  	s22 =	sand.u32 $0x300, s22  }
0x138: {  	s22 =	sadd.s32 s22, s21  }
0x139: {  	[tilespmem:s22+$0x0] =	vst v5  }
0x13a: {  	s23 =	sadd.s32 $0x2, s19;
	v5 =	vld [tilespmem:s11+$0x10]  }
0x13b: {  	v6 =	vmov s23  }
0x13c: {  	v7 =	vshrl.u32 v6, $0x3;
	v6 =	vshll.u32 v6, $0x7  }
0x13d: {  	v7 =	vmul.u32 $0xC00, v7  }
0x13e: {  	v6 =	vand.u32 $0x300, v6  }
0x13f: {  	[tilespmem:s22+$0x10] =	vst v5;
	v5 =	vor.u32 v6, v7  }
0x140: {  	v6 =	vld [tilespmem:s11+$0x20];
	v5 =	vadd.s32 v4, v5;
	_ =	sdelay $0x4  }
0x141: {  	[tilespmem:v5+s13+$0x0] =	vst.idx.msk $0xfff, v6  }
0x142: {  	v5 =	vld [tilespmem:s11+$0x80];
	_ =	sdelay $0x2  }
0x143: {  	s22 =	sand.u32 $0x380, s14  }
0x144: {  	s21 =	sadd.s32 s22, s21  }
0x145: {  	[tilespmem:s21+$0x0] =	vst v5  }
0x146: {  	s22 =	sadd.s32 $0x3, s19;
	s19 =	smov.u32 s8;
	v5 =	vld [tilespmem:s11+$0x90]  }
0x147: {  	v6 =	vmov s22  }
0x148: {  	v7 =	vshrl.u32 v6, $0x3;
	v6 =	vshll.u32 v6, $0x7  }
0x149: {  	v7 =	vmul.u32 $0xC00, v7  }
0x14a: {  	v6 =	vand.u32 $0x380, v6  }
0x14b: {  	v6 =	vor.u32 v6, v7;
	[tilespmem:s21+$0x10] =	vst v5  }
.Ltmp0:
0x14c: {  	v6 =	vadd.s32 v4, v6;
	v5 =	vld [tilespmem:s11+$0xA0];
	(pc) =	sbr.rel @p0 .LBB2_3-.Ltmp0, $2  }
0x14d: {  	_ =	sdelay $0x2  }
0x14e: {  	s21 =	smov.u32 s20;
	s11 =	sadd.s32 $0x200, s11  }
0x14f: {  	_ =	sdelay $0x3  }
0x150: {  	s8 =	sshrl.u32 s19, $0x3;
	[tilespmem:v6+s13+$0x0] =	vst.idx.msk $0xfff, v5  }
0x151: {  	v5 =	vld [tilespmem:s11+$0xFFFFFF00];
	s8 =	smul.u32 $0x3000, s8  }
0x152: {  	s14 =	sadd.s32 $0x200, s14  }
0x153: {  	s20 =	sadd.s32 $0xFFFFFE80, s14;
	s8 =	sshra.s32 s8, $0x2  }
0x154: {  	s20 =	sand.u32 $0x200, s20;
	s8 =	sadd.s32 $0x900, s8  }
0x155: {  	s20 =	sor.u32 s20, s8  }
0x156: {  	[tilespmem:s20+$0x0] =	vst v5  }
0x157: {  	v6 =	vmov s19;
	v5 =	vld [tilespmem:s11+$0xFFFFFF10]  }
0x158: {  	v7 =	vshrl.u32 v6, $0x3  }
0x159: {  	v6 =	vshll.u32 v6, $0x7;
	v7 =	vmul.u32 $0xC00, v7  }
0x15a: {  	v6 =	vand.u32 $0x200, v6  }
0x15b: {  	v6 =	vor.u32 v6, v7  }
0x15c: {  	[tilespmem:s20+$0x10] =	vst v5;
	v5 =	vor.u32 v3, v6  }
0x15d: {  	v6 =	vld [tilespmem:s11+$0xFFFFFF20];
	v5 =	vadd.s32 $0x800, v5;
	_ =	sdelay $0x4  }
0x15e: {  	[tilespmem:v5+s13+$0x0] =	vst.idx.msk $0xfff, v6  }
0x15f: {  	v5 =	vld [tilespmem:s11+$0xFFFFFF80];
	_ =	sdelay $0x1  }
0x160: {  	s21 =	sadd.s32 $0xFFFFFF00, s14  }
0x161: {  	s20 =	sand.u32 $0x280, s21  }
0x162: {  	s20 =	sor.u32 s20, s8  }
0x163: {  	[tilespmem:s20+$0x0] =	vst v5  }
0x164: {  	s21 =	sadd.s32 $0x1, s19;
	v5 =	vld [tilespmem:s11+$0xFFFFFF90]  }
0x165: {  	v6 =	vmov s21  }
0x166: {  	v7 =	vshrl.u32 v6, $0x3  }
0x167: {  	v6 =	vshll.u32 v6, $0x7;
	v7 =	vmul.u32 $0xC00, v7  }
0x168: {  	v6 =	vand.u32 $0x280, v6  }
0x169: {  	[tilespmem:s20+$0x10] =	vst v5;
	v5 =	vor.u32 v6, v7  }
0x16a: {  	v6 =	vld [tilespmem:s11+$0xFFFFFFA0];
	v5 =	vadd.s32 v4, v5;
	_ =	sdelay $0x4  }
0x16b: {  	[tilespmem:v5+s13+$0x0] =	vst.idx.msk $0xfff, v6  }
0x16c: {  	v5 =	vld [tilespmem:s11+$0x0];
	_ =	sdelay $0x1  }
0x16d: {  	s22 =	sadd.s32 $0xFFFFFF80, s14  }
0x16e: {  	s20 =	sand.u32 $0x300, s22  }
0x16f: {  	s20 =	sadd.s32 s20, s8  }
0x170: {  	[tilespmem:s20+$0x0] =	vst v5  }
0x171: {  	s23 =	sadd.s32 $0x2, s19;
	v5 =	vld [tilespmem:s11+$0x10]  }
0x172: {  	v6 =	vmov s23  }
0x173: {  	v7 =	vshrl.u32 v6, $0x3  }
0x174: {  	v6 =	vshll.u32 v6, $0x7;
	v7 =	vmul.u32 $0xC00, v7  }
0x175: {  	v6 =	vand.u32 $0x300, v6  }
0x176: {  	[tilespmem:s20+$0x10] =	vst v5;
	v5 =	vor.u32 v6, v7  }
0x177: {  	v6 =	vld [tilespmem:s11+$0x20];
	v5 =	vadd.s32 v4, v5;
	_ =	sdelay $0x4  }
0x178: {  	[tilespmem:v5+s13+$0x0] =	vst.idx.msk $0xfff, v6  }
0x179: {  	v5 =	vld [tilespmem:s11+$0x80];
	_ =	sdelay $0x2  }
0x17a: {  	s14 =	sand.u32 $0x380, s14  }
0x17b: {  	s8 =	sadd.s32 s14, s8  }
0x17c: {  	[tilespmem:s8+$0x0] =	vst v5  }
0x17d: {  	s21 =	sadd.s32 $0x3, s19;
	v5 =	vld [tilespmem:s11+$0x90]  }
0x17e: {  	v6 =	vmov s21  }
0x17f: {  	v7 =	vshrl.u32 v6, $0x3  }
0x180: {  	v6 =	vshll.u32 v6, $0x7;
	v7 =	vmul.u32 $0xC00, v7  }
0x181: {  	v6 =	vand.u32 $0x380, v6  }
0x182: {  	[tilespmem:s8+$0x10] =	vst v5;
	v5 =	vor.u32 v6, v7  }
0x183: {  	v6 =	vld [tilespmem:s11+$0xA0];
	v5 =	vadd.s32 v4, v5;
	_ =	sdelay $0x1  }
0x184: {  	s11 =	sshll.u32 s17, $0x8  }
0x185: {  	s22 =	sadd.s32 s4, s11  }
0x186: {  	s8 =	sshrl.u32 s22, $0x3  }
0x187: {  	s8 =	smul.u32 $0x180, s8;
	[tilespmem:v5+s13+$0x0] =	vst.idx.msk $0xfff, v6  }
0x188: {  	[tilespmem:s31], [sflag:$0x2] =	stream.indirect.gather [hbm4b:s6+s30], $0x80, s30, s30, $0xb8;
	[tilespmem:$0x1C100] =	vst v63  }
0x189: {  	s23 =	sadd.s32 s7, s8;
	s8 =	simm.s32 $0x0  }
0x18a: {  	[hbm4b:s23+s8] =	stream.linear.scatter [tilespmem:s13], [sflag:$0x3], $0xC000, $0x38;
	[tilespmem:$0x1C100] =	vst v63  }
0x18b: {  	_ =	swait.ge [sflag:s12], $0xC000  }
0x18c: {  	[sflag:s12] =	ssyncset.done $0x0  }
0x18d: {  	[sflag:s12] =	ssyncadd.s32 $0xFFFF4000  }
0x18e: {  	_ =	swait.ge [sflag:s1], $0x8000  }
0x18f: {  	[sflag:s1] =	ssyncset.done $0x0  }
0x190: {  	[sflag:s1] =	ssyncadd.s32 $0xFFFF8000  }
0x191: {  	_ =	swait.ge [sflag:s1], $0x4000  }
0x192: {  	[sflag:s1] =	ssyncset.done $0x0  }
0x193: {  	[sflag:s1] =	ssyncadd.s32 $0xFFFFC000  }
0x194: {  	_ =	swait.ge [sflag:s0], $0x80  }
0x195: {  	[sflag:s0] =	ssyncset.done $0x0  }
0x196: {  	[sflag:s0] =	ssyncadd.s32 $0xFFFFFF80  }
0x197: {  	v5 =	vld [tilespmem:$0x0];
	_ =	sdelay $0x4  }
0x198: {  	v6 =	vshrl.u32 v5, $0x3  }
0x199: {  	v6 =	vmul.u32 $0x18, v6  }
0x19a: {  	v5 =	vand.u32 $0x7, v5  }
0x19b: {  	v5 =	vor.u32 v5, v6  }
0x19c: {  	v6 =	vperm.xlane v5, v0;
	_ =	sdelay $0x1  }
0x19d: {  	v5 =	vperm.xlane v5, v2;
	v6 =	vadd.s32 v1, v6;
	_ =	sdelay $0x1  }
0x19e: {  	v5 =	vadd.s32 v1, v5;
	_ =	sdelay $0x2  }
0x19f: {  	[tilespmem:s13], [sflag:$0x2] =	stream.indirect_vreg.gather [hbm4b:s2+s8], $0x80, v6, vm0, $0xb8;
	[tilespmem:$0x1C100] =	vst v63  }
0x1a0: {  	s19 =	simm.s32 $0xD00  }
0x1a1: {  	[tilespmem:s19], [sflag:$0x2] =	stream.indirect_vreg.gather [hbm4b:s2+s8], $0x80, v5, vm0, $0xb8;
	[tilespmem:$0x1C100] =	vst v63  }
0x1a2: {  	v5 =	vld [tilespmem:$0x10];
	_ =	sdelay $0x4  }
0x1a3: {  	v6 =	vshrl.u32 v5, $0x3  }
0x1a4: {  	v6 =	vmul.u32 $0x18, v6  }
0x1a5: {  	v5 =	vand.u32 $0x7, v5  }
0x1a6: {  	v5 =	vor.u32 v5, v6  }
0x1a7: {  	v6 =	vperm.xlane v5, v0;
	_ =	sdelay $0x1  }
0x1a8: {  	v5 =	vperm.xlane v5, v2;
	v6 =	vadd.s32 v1, v6;
	_ =	sdelay $0x1  }
0x1a9: {  	v5 =	vadd.s32 v1, v5;
	_ =	sdelay $0x1  }
0x1aa: {  	s20 =	simm.s32 $0x1900  }
0x1ab: {  	[tilespmem:s20], [sflag:$0x2] =	stream.indirect_vreg.gather [hbm4b:s2+s8], $0x80, v6, vm0, $0xb8;
	[tilespmem:$0x1C100] =	vst v63  }
0x1ac: {  	s21 =	simm.s32 $0x2500  }
0x1ad: {  	[tilespmem:s21], [sflag:$0x2] =	stream.indirect_vreg.gather [hbm4b:s2+s8], $0x80, v5, vm0, $0xb8;
	[tilespmem:$0x1C100] =	vst v63  }
0x1ae: {  	v5 =	vld [tilespmem:$0x20];
	_ =	sdelay $0x4  }
0x1af: {  	v6 =	vshrl.u32 v5, $0x3  }
0x1b0: {  	v6 =	vmul.u32 $0x18, v6  }
0x1b1: {  	v5 =	vand.u32 $0x7, v5  }
0x1b2: {  	v5 =	vor.u32 v5, v6  }
0x1b3: {  	v6 =	vperm.xlane v5, v0;
	_ =	sdelay $0x1  }
0x1b4: {  	v5 =	vperm.xlane v5, v2;
	v6 =	vadd.s32 v1, v6;
	_ =	sdelay $0x1  }
0x1b5: {  	v5 =	vadd.s32 v1, v5;
	_ =	sdelay $0x1  }
0x1b6: {  	s22 =	simm.s32 $0x3100  }
0x1b7: {  	[tilespmem:s22], [sflag:$0x2] =	stream.indirect_vreg.gather [hbm4b:s2+s8], $0x80, v6, vm0, $0xb8;
	[tilespmem:$0x1C100] =	vst v63  }
0x1b8: {  	s23 =	simm.s32 $0x3D00  }
0x1b9: {  	[tilespmem:s23], [sflag:$0x2] =	stream.indirect_vreg.gather [hbm4b:s2+s8], $0x80, v5, vm0, $0xb8;
	[tilespmem:$0x1C100] =	vst v63  }
0x1ba: {  	v5 =	vld [tilespmem:$0x30];
	_ =	sdelay $0x4  }
0x1bb: {  	v6 =	vshrl.u32 v5, $0x3  }
0x1bc: {  	v6 =	vmul.u32 $0x18, v6  }
0x1bd: {  	v5 =	vand.u32 $0x7, v5  }
0x1be: {  	v5 =	vor.u32 v5, v6  }
0x1bf: {  	v6 =	vperm.xlane v5, v0;
	_ =	sdelay $0x1  }
0x1c0: {  	v5 =	vperm.xlane v5, v2;
	v6 =	vadd.s32 v1, v6;
	_ =	sdelay $0x1  }
0x1c1: {  	v5 =	vadd.s32 v1, v5;
	_ =	sdelay $0x1  }
0x1c2: {  	s19 =	simm.s32 $0x4900  }
0x1c3: {  	[tilespmem:s19], [sflag:$0x2] =	stream.indirect_vreg.gather [hbm4b:s2+s8], $0x80, v6, vm0, $0xb8;
	[tilespmem:$0x1C100] =	vst v63  }
0x1c4: {  	s20 =	simm.s32 $0x5500  }
0x1c5: {  	[tilespmem:s20], [sflag:$0x2] =	stream.indirect_vreg.gather [hbm4b:s2+s8], $0x80, v5, vm0, $0xb8;
	[tilespmem:$0x1C100] =	vst v63  }
0x1c6: {  	v5 =	vld [tilespmem:$0x40];
	_ =	sdelay $0x4  }
0x1c7: {  	v6 =	vshrl.u32 v5, $0x3  }
0x1c8: {  	v6 =	vmul.u32 $0x18, v6  }
0x1c9: {  	v5 =	vand.u32 $0x7, v5  }
0x1ca: {  	v5 =	vor.u32 v5, v6  }
0x1cb: {  	v6 =	vperm.xlane v5, v0;
	_ =	sdelay $0x1  }
0x1cc: {  	v5 =	vperm.xlane v5, v2;
	v6 =	vadd.s32 v1, v6;
	_ =	sdelay $0x1  }
0x1cd: {  	v5 =	vadd.s32 v1, v5;
	_ =	sdelay $0x1  }
0x1ce: {  	s21 =	simm.s32 $0x6100  }
0x1cf: {  	[tilespmem:s21], [sflag:$0x2] =	stream.indirect_vreg.gather [hbm4b:s2+s8], $0x80, v6, vm0, $0xb8;
	[tilespmem:$0x1C100] =	vst v63  }
0x1d0: {  	s22 =	simm.s32 $0x6D00  }
0x1d1: {  	[tilespmem:s22], [sflag:$0x2] =	stream.indirect_vreg.gather [hbm4b:s2+s8], $0x80, v5, vm0, $0xb8;
	[tilespmem:$0x1C100] =	vst v63  }
0x1d2: {  	v5 =	vld [tilespmem:$0x50];
	_ =	sdelay $0x4  }
0x1d3: {  	v6 =	vshrl.u32 v5, $0x3  }
0x1d4: {  	v6 =	vmul.u32 $0x18, v6  }
0x1d5: {  	v5 =	vand.u32 $0x7, v5  }
0x1d6: {  	v5 =	vor.u32 v5, v6  }
0x1d7: {  	v6 =	vperm.xlane v5, v0;
	_ =	sdelay $0x1  }
0x1d8: {  	v5 =	vperm.xlane v5, v2;
	v6 =	vadd.s32 v1, v6;
	_ =	sdelay $0x1  }
0x1d9: {  	v5 =	vadd.s32 v1, v5;
	_ =	sdelay $0x1  }
0x1da: {  	s23 =	simm.s32 $0x7900  }
0x1db: {  	[tilespmem:s23], [sflag:$0x2] =	stream.indirect_vreg.gather [hbm4b:s2+s8], $0x80, v6, vm0, $0xb8;
	[tilespmem:$0x1C100] =	vst v63  }
0x1dc: {  	_ = 	snop  }
0x1dd: {  	[tilespmem:s24], [sflag:$0x2] =	stream.indirect_vreg.gather [hbm4b:s2+s8], $0x80, v5, vm0, $0xb8;
	[tilespmem:$0x1C100] =	vst v63  }
0x1de: {  	v5 =	vld [tilespmem:$0x60];
	_ =	sdelay $0x4  }
0x1df: {  	v6 =	vshrl.u32 v5, $0x3  }
0x1e0: {  	v6 =	vmul.u32 $0x18, v6  }
0x1e1: {  	v5 =	vand.u32 $0x7, v5  }
0x1e2: {  	v5 =	vor.u32 v5, v6  }
0x1e3: {  	v6 =	vperm.xlane v5, v0;
	_ =	sdelay $0x1  }
0x1e4: {  	v5 =	vperm.xlane v5, v2;
	v6 =	vadd.s32 v1, v6;
	_ =	sdelay $0x1  }
0x1e5: {  	v5 =	vadd.s32 v1, v5;
	_ =	sdelay $0x2  }
0x1e6: {  	[tilespmem:s25], [sflag:$0x2] =	stream.indirect_vreg.gather [hbm4b:s2+s8], $0x80, v6, vm0, $0xb8;
	[tilespmem:$0x1C100] =	vst v63  }
0x1e7: {  	_ = 	snop  }
0x1e8: {  	[tilespmem:s26], [sflag:$0x2] =	stream.indirect_vreg.gather [hbm4b:s2+s8], $0x80, v5, vm0, $0xb8;
	[tilespmem:$0x1C100] =	vst v63  }
0x1e9: {  	v5 =	vld [tilespmem:$0x70];
	_ =	sdelay $0x4  }
0x1ea: {  	v6 =	vshrl.u32 v5, $0x3  }
0x1eb: {  	v6 =	vmul.u32 $0x18, v6  }
0x1ec: {  	v5 =	vand.u32 $0x7, v5  }
0x1ed: {  	v5 =	vor.u32 v5, v6  }
0x1ee: {  	v6 =	vperm.xlane v5, v0  }
0x1ef: {  	s18 =	smin.u32 s18, $0xC4  }
0x1f0: {  	s14 =	sshll.u32 s18, $0x7;
	v5 =	vperm.xlane v5, v2;
	v6 =	vadd.s32 v1, v6  }
0x1f1: {  	s14 =	sadd.s32 $0x180, s14  }
0x1f2: {  	s19 =	sand.u32 $0xFC00, s14;
	v5 =	vadd.s32 v1, v5  }
0x1f3: {  	s14 =	sand.u32 $0x380, s14;
	s18 =	sadd.s32 s4, s19  }
0x1f4: {  	s14 =	sor.u32 s14, s18  }
0x1f5: {  	[tilespmem:s28], [sflag:$0x2] =	stream.indirect_vreg.gather [hbm4b:s2+s8], $0x80, v6, vm0, $0xb8;
	[tilespmem:$0x1C100] =	vst v63  }
0x1f6: {  	s14 =	sshrl.u32 s14, $0x3  }
0x1f7: {  	[tilespmem:s29], [sflag:$0x2] =	stream.indirect_vreg.gather [hbm4b:s2+s8], $0x80, v5, vm0, $0xb8;
	[tilespmem:$0x1C100] =	vst v63  }
0x1f8: {  	s18 =	simm.s32 $0x18200;
	s20 =	simm.s32 $0x0;
	s14 =	sadd.s32 s5, s14  }
0x1f9: {  	[tilespmem:s30], [sflag:$0x1] =	stream.linear.gather [hbm4b:s14+s8], $0x80, $0x38;
	[tilespmem:$0x1C100] =	vst v63  }
0x1fa: {  	s14 =	smul.u32 $0x3000, s20;
	v5 =	vld [tilespmem:s18+$0xFFFFFF00];
	_ =	sdelay $0x1  }
0x1fb: {  	s21 =	simm.s32 $0x0;
	s14 =	sshra.s32 s14, $0x2  }
0x1fc: {  	s19 =	sand.u32 $0x200, s21;
	s20 =	sadd.s32 $0xC900, s14  }
0x1fd: {  	s14 =	sor.u32 s19, s20  }
0x1fe: {  	[tilespmem:s14+$0x0] =	vst v5  }
0x1ff: {  	v6 =	vmov s8;
	v5 =	vld [tilespmem:s18+$0xFFFFFF10]  }
0x200: {  	v7 =	vshrl.u32 v6, $0x3  }
0x201: {  	v6 =	vshll.u32 v6, $0x7;
	v7 =	vmul.u32 $0xC00, v7  }
0x202: {  	v6 =	vand.u32 $0x200, v6  }
0x203: {  	v6 =	vor.u32 v6, v7  }
0x204: {  	[tilespmem:s14+$0x10] =	vst v5;
	v5 =	vor.u32 v3, v6  }
0x205: {  	v6 =	vld [tilespmem:s18+$0xFFFFFF20];
	v5 =	vadd.s32 $0x800, v5;
	_ =	sdelay $0x4  }
0x206: {  	[tilespmem:v5+s9+$0x0] =	vst.idx.msk $0xfff, v6  }
0x207: {  	v5 =	vld [tilespmem:s18+$0xFFFFFF80];
	_ =	sdelay $0x1  }
0x208: {  	s22 =	simm.s32 $0x80  }
0x209: {  	s8 =	sand.u32 $0x280, s22  }
0x20a: {  	s8 =	sor.u32 s8, s20  }
0x20b: {  	[tilespmem:s8+$0x0] =	vst v5  }
0x20c: {  	s23 =	simm.s32 $0x1;
	v5 =	vld [tilespmem:s18+$0xFFFFFF90]  }
0x20d: {  	v6 =	vmov s23  }
0x20e: {  	v7 =	vshrl.u32 v6, $0x3  }
0x20f: {  	v6 =	vshll.u32 v6, $0x7;
	v7 =	vmul.u32 $0xC00, v7  }
0x210: {  	v6 =	vand.u32 $0x280, v6  }
0x211: {  	[tilespmem:s8+$0x10] =	vst v5;
	v5 =	vor.u32 v6, v7  }
0x212: {  	v6 =	vld [tilespmem:s18+$0xFFFFFFA0];
	v5 =	vadd.s32 v4, v5;
	_ =	sdelay $0x4  }
0x213: {  	[tilespmem:v5+s9+$0x0] =	vst.idx.msk $0xfff, v6  }
0x214: {  	v5 =	vld [tilespmem:s18+$0x0];
	_ =	sdelay $0x1  }
0x215: {  	s19 =	simm.s32 $0x100  }
0x216: {  	s8 =	sand.u32 $0x300, s19  }
0x217: {  	s8 =	sadd.s32 s8, s20  }
0x218: {  	[tilespmem:s8+$0x0] =	vst v5  }
0x219: {  	s21 =	simm.s32 $0x2;
	v5 =	vld [tilespmem:s18+$0x10]  }
0x21a: {  	v6 =	vmov s21  }
0x21b: {  	v7 =	vshrl.u32 v6, $0x3  }
0x21c: {  	v6 =	vshll.u32 v6, $0x7;
	v7 =	vmul.u32 $0xC00, v7  }
0x21d: {  	v6 =	vand.u32 $0x300, v6  }
0x21e: {  	[tilespmem:s8+$0x10] =	vst v5;
	v5 =	vor.u32 v6, v7  }
0x21f: {  	v6 =	vld [tilespmem:s18+$0x20];
	v5 =	vadd.s32 v4, v5;
	_ =	sdelay $0x4  }
0x220: {  	[tilespmem:v5+s9+$0x0] =	vst.idx.msk $0xfff, v6  }
0x221: {  	v5 =	vld [tilespmem:s18+$0x80];
	_ =	sdelay $0x1  }
0x222: {  	s14 =	simm.s32 $0x180  }
0x223: {  	s22 =	sand.u32 $0x380, s14  }
0x224: {  	s8 =	sadd.s32 s22, s20  }
0x225: {  	[tilespmem:s8+$0x0] =	vst v5  }
0x226: {  	s23 =	simm.s32 $0x3;
	v5 =	vld [tilespmem:s18+$0x90]  }
0x227: {  	v6 =	vmov s23  }
0x228: {  	v7 =	vshrl.u32 v6, $0x3  }
0x229: {  	v6 =	vshll.u32 v6, $0x7;
	v7 =	vmul.u32 $0xC00, v7  }
0x22a: {  	v6 =	vand.u32 $0x380, v6  }
0x22b: {  	v6 =	vor.u32 v6, v7;
	[tilespmem:s8+$0x10] =	vst v5  }
0x22c: {  	v6 =	vadd.s32 v4, v6;
	v5 =	vld [tilespmem:s18+$0xA0];
	_ =	sdelay $0x2  }
0x22d: {  	s19 =	simm.s32 $0x4;
	s21 =	simm.s32 $0x8;
	s18 =	simm.s32 $0x18400  }
.LBB2_5:
0x22e: {  	s22 =	sshrl.u32 s19, $0x3  }
0x22f: {  	[tilespmem:v6+s9+$0x0] =	vst.idx.msk $0xfff, v5;
	s14 =	sadd.s32 $0x200, s14;
	s8 =	smov.u32 s21;
	s20 =	sadd.s32 $0x4, s21  }
0x230: {  	p0 =	slt.u32 s21, $0x7C;
	v5 =	vld [tilespmem:s18+$0xFFFFFF00];
	s21 =	smul.u32 $0x3000, s22;
	_ =	sdelay $0x1  }
0x231: {  	s22 =	sadd.s32 $0xFFFFFE80, s14;
	s21 =	sshra.s32 s21, $0x2  }
0x232: {  	s22 =	sand.u32 $0x200, s22;
	s21 =	sadd.s32 $0xC900, s21  }
0x233: {  	s22 =	sor.u32 s22, s21  }
0x234: {  	[tilespmem:s22+$0x0] =	vst v5  }
0x235: {  	v6 =	vmov s19;
	v5 =	vld [tilespmem:s18+$0xFFFFFF10]  }
0x236: {  	v7 =	vshrl.u32 v6, $0x3;
	v6 =	vshll.u32 v6, $0x7  }
0x237: {  	v7 =	vmul.u32 $0xC00, v7  }
0x238: {  	v6 =	vand.u32 $0x200, v6  }
0x239: {  	v6 =	vor.u32 v6, v7  }
0x23a: {  	[tilespmem:s22+$0x10] =	vst v5;
	v5 =	vor.u32 v3, v6  }
0x23b: {  	v6 =	vld [tilespmem:s18+$0xFFFFFF20];
	v5 =	vadd.s32 $0x800, v5;
	_ =	sdelay $0x4  }
0x23c: {  	[tilespmem:v5+s9+$0x0] =	vst.idx.msk $0xfff, v6  }
0x23d: {  	v5 =	vld [tilespmem:s18+$0xFFFFFF80];
	_ =	sdelay $0x1  }
0x23e: {  	s22 =	sadd.s32 $0xFFFFFF00, s14  }
0x23f: {  	s22 =	sand.u32 $0x280, s22  }
0x240: {  	s22 =	sor.u32 s22, s21  }
0x241: {  	[tilespmem:s22+$0x0] =	vst v5  }
0x242: {  	s23 =	sadd.s32 $0x1, s19;
	v5 =	vld [tilespmem:s18+$0xFFFFFF90]  }
0x243: {  	v6 =	vmov s23  }
0x244: {  	v7 =	vshrl.u32 v6, $0x3;
	v6 =	vshll.u32 v6, $0x7  }
0x245: {  	v7 =	vmul.u32 $0xC00, v7  }
0x246: {  	v6 =	vand.u32 $0x280, v6  }
0x247: {  	[tilespmem:s22+$0x10] =	vst v5;
	v5 =	vor.u32 v6, v7  }
0x248: {  	v6 =	vld [tilespmem:s18+$0xFFFFFFA0];
	v5 =	vadd.s32 v4, v5;
	_ =	sdelay $0x4  }
0x249: {  	[tilespmem:v5+s9+$0x0] =	vst.idx.msk $0xfff, v6  }
0x24a: {  	v5 =	vld [tilespmem:s18+$0x0];
	_ =	sdelay $0x1  }
0x24b: {  	s22 =	sadd.s32 $0xFFFFFF80, s14  }
0x24c: {  	s22 =	sand.u32 $0x300, s22  }
0x24d: {  	s22 =	sadd.s32 s22, s21  }
0x24e: {  	[tilespmem:s22+$0x0] =	vst v5  }
0x24f: {  	s23 =	sadd.s32 $0x2, s19;
	v5 =	vld [tilespmem:s18+$0x10]  }
0x250: {  	v6 =	vmov s23  }
0x251: {  	v7 =	vshrl.u32 v6, $0x3;
	v6 =	vshll.u32 v6, $0x7  }
0x252: {  	v7 =	vmul.u32 $0xC00, v7  }
0x253: {  	v6 =	vand.u32 $0x300, v6  }
0x254: {  	[tilespmem:s22+$0x10] =	vst v5;
	v5 =	vor.u32 v6, v7  }
0x255: {  	v6 =	vld [tilespmem:s18+$0x20];
	v5 =	vadd.s32 v4, v5;
	_ =	sdelay $0x4  }
0x256: {  	[tilespmem:v5+s9+$0x0] =	vst.idx.msk $0xfff, v6  }
0x257: {  	v5 =	vld [tilespmem:s18+$0x80];
	_ =	sdelay $0x2  }
0x258: {  	s22 =	sand.u32 $0x380, s14  }
0x259: {  	s21 =	sadd.s32 s22, s21  }
0x25a: {  	[tilespmem:s21+$0x0] =	vst v5  }
0x25b: {  	s22 =	sadd.s32 $0x3, s19;
	s19 =	smov.u32 s8;
	v5 =	vld [tilespmem:s18+$0x90]  }
0x25c: {  	v6 =	vmov s22  }
0x25d: {  	v7 =	vshrl.u32 v6, $0x3;
	v6 =	vshll.u32 v6, $0x7  }
0x25e: {  	v7 =	vmul.u32 $0xC00, v7  }
0x25f: {  	v6 =	vand.u32 $0x380, v6  }
0x260: {  	v6 =	vor.u32 v6, v7;
	[tilespmem:s21+$0x10] =	vst v5  }
.Ltmp1:
0x261: {  	v6 =	vadd.s32 v4, v6;
	v5 =	vld [tilespmem:s18+$0xA0];
	(pc) =	sbr.rel @p0 .LBB2_5-.Ltmp1, $2  }
0x262: {  	_ =	sdelay $0x2  }
0x263: {  	s21 =	smov.u32 s20;
	s18 =	sadd.s32 $0x200, s18  }
0x264: {  	_ =	sdelay $0x3  }
0x265: {  	s8 =	sshrl.u32 s19, $0x3;
	[tilespmem:v6+s9+$0x0] =	vst.idx.msk $0xfff, v5  }
0x266: {  	v5 =	vld [tilespmem:s18+$0xFFFFFF00];
	s8 =	smul.u32 $0x3000, s8  }
0x267: {  	s14 =	sadd.s32 $0x200, s14  }
0x268: {  	s20 =	sadd.s32 $0xFFFFFE80, s14;
	s8 =	sshra.s32 s8, $0x2  }
0x269: {  	s20 =	sand.u32 $0x200, s20;
	s8 =	sadd.s32 $0xC900, s8  }
0x26a: {  	s20 =	sor.u32 s20, s8  }
0x26b: {  	[tilespmem:s20+$0x0] =	vst v5  }
0x26c: {  	v6 =	vmov s19;
	v5 =	vld [tilespmem:s18+$0xFFFFFF10]  }
0x26d: {  	v7 =	vshrl.u32 v6, $0x3  }
0x26e: {  	v6 =	vshll.u32 v6, $0x7;
	v7 =	vmul.u32 $0xC00, v7  }
0x26f: {  	v6 =	vand.u32 $0x200, v6  }
0x270: {  	v6 =	vor.u32 v6, v7  }
0x271: {  	[tilespmem:s20+$0x10] =	vst v5;
	v5 =	vor.u32 v3, v6  }
0x272: {  	v6 =	vld [tilespmem:s18+$0xFFFFFF20];
	v5 =	vadd.s32 $0x800, v5;
	_ =	sdelay $0x4  }
0x273: {  	[tilespmem:v5+s9+$0x0] =	vst.idx.msk $0xfff, v6  }
0x274: {  	v5 =	vld [tilespmem:s18+$0xFFFFFF80];
	_ =	sdelay $0x1  }
0x275: {  	s21 =	sadd.s32 $0xFFFFFF00, s14  }
0x276: {  	s20 =	sand.u32 $0x280, s21  }
0x277: {  	s20 =	sor.u32 s20, s8  }
0x278: {  	[tilespmem:s20+$0x0] =	vst v5  }
0x279: {  	s21 =	sadd.s32 $0x1, s19;
	v5 =	vld [tilespmem:s18+$0xFFFFFF90]  }
0x27a: {  	v6 =	vmov s21  }
0x27b: {  	v7 =	vshrl.u32 v6, $0x3  }
0x27c: {  	v6 =	vshll.u32 v6, $0x7;
	v7 =	vmul.u32 $0xC00, v7  }
0x27d: {  	v6 =	vand.u32 $0x280, v6  }
0x27e: {  	[tilespmem:s20+$0x10] =	vst v5;
	v5 =	vor.u32 v6, v7  }
0x27f: {  	v6 =	vld [tilespmem:s18+$0xFFFFFFA0];
	v5 =	vadd.s32 v4, v5;
	_ =	sdelay $0x4  }
0x280: {  	[tilespmem:v5+s9+$0x0] =	vst.idx.msk $0xfff, v6  }
0x281: {  	v5 =	vld [tilespmem:s18+$0x0];
	_ =	sdelay $0x1  }
0x282: {  	s22 =	sadd.s32 $0xFFFFFF80, s14  }
0x283: {  	s20 =	sand.u32 $0x300, s22  }
0x284: {  	s20 =	sadd.s32 s20, s8  }
0x285: {  	[tilespmem:s20+$0x0] =	vst v5  }
0x286: {  	s23 =	sadd.s32 $0x2, s19;
	v5 =	vld [tilespmem:s18+$0x10]  }
0x287: {  	v6 =	vmov s23  }
0x288: {  	v7 =	vshrl.u32 v6, $0x3  }
0x289: {  	v6 =	vshll.u32 v6, $0x7;
	v7 =	vmul.u32 $0xC00, v7  }
0x28a: {  	v6 =	vand.u32 $0x300, v6  }
0x28b: {  	[tilespmem:s20+$0x10] =	vst v5;
	v5 =	vor.u32 v6, v7  }
0x28c: {  	v6 =	vld [tilespmem:s18+$0x20];
	v5 =	vadd.s32 v4, v5;
	_ =	sdelay $0x4  }
0x28d: {  	[tilespmem:v5+s9+$0x0] =	vst.idx.msk $0xfff, v6  }
0x28e: {  	v5 =	vld [tilespmem:s18+$0x80];
	_ =	sdelay $0x2  }
0x28f: {  	s14 =	sand.u32 $0x380, s14  }
0x290: {  	s8 =	sadd.s32 s14, s8  }
0x291: {  	[tilespmem:s8+$0x0] =	vst v5  }
0x292: {  	s22 =	sadd.s32 $0x3, s19;
	v5 =	vld [tilespmem:s18+$0x90]  }
0x293: {  	v6 =	vmov s22  }
0x294: {  	v7 =	vshrl.u32 v6, $0x3  }
0x295: {  	v6 =	vshll.u32 v6, $0x7;
	v7 =	vmul.u32 $0xC00, v7  }
0x296: {  	v6 =	vand.u32 $0x380, v6  }
0x297: {  	[tilespmem:s8+$0x10] =	vst v5;
	v5 =	vor.u32 v6, v7  }
0x298: {  	v6 =	vld [tilespmem:s18+$0xA0];
	v5 =	vadd.s32 v4, v5;
	_ =	sdelay $0x2  }
0x299: {  	s23 =	sadd.s32 s11, s10  }
0x29a: {  	s17 =	sadd.s32 $0x1, s17;
	s8 =	sshrl.u32 s23, $0x3  }
0x29b: {  	p0 =	sne.s32 s17, $0x64;
	s8 =	smul.u32 $0x180, s8;
	[tilespmem:v5+s9+$0x0] =	vst.idx.msk $0xfff, v6  }
0x29c: {  	[tilespmem:s31], [sflag:$0x2] =	stream.indirect.gather [hbm4b:s6+s30], $0x80, s3, s30, $0xb8;
	[tilespmem:$0x1C100] =	vst v63  }
.Ltmp2:
0x29d: {  	s8 =	sadd.s32 s7, s8;
	(pc) =	sbr.rel @p0 .LBB2_2-.Ltmp2, $4  }
0x29e: {  	[hbm4b:s8+s3] =	stream.linear.scatter [tilespmem:s9], [sflag:$0x3], $0xC000, $0x38;
	[tilespmem:$0x1C100] =	vst v63  }
0x29f: {  	_ =	swait.ge [sflag:s12], $0xC000  }
0x2a0: {  	[sflag:s12] =	ssyncset.done $0x0  }
0x2a1: {  	[sflag:s12] =	ssyncadd.s32 $0xFFFF4000  }
0x2a2: {  	_ =	swait.ge [sflag:s1], $0x8000  }
0x2a3: {  	[sflag:s1] =	ssyncset.done $0x0  }
0x2a4: {  	[sflag:s1] =	ssyncadd.s32 $0xFFFF8000  }
0x2a5: {  	_ =	swait.ge [sflag:s1], $0x4000  }
0x2a6: {  	[sflag:s1] =	ssyncset.done $0x0  }
0x2a7: {  	[sflag:s1] =	ssyncadd.s32 $0xFFFFC000  }
0x2a8: {  	_ =	swait.ge [sflag:s0], $0x80  }
0x2a9: {  	s11 =	rddreg [dreg:$0x6]  }
0x2aa: {  	s8 =	rddreg [dreg:$0x5];
	s11 =	sadd.s32 $0x1, s11  }
0x2ab: {  	p0 =	sne.s32 s11, s8  }
.Ltmp3:
0x2ac: {  	_ = 	snop;
	(pc) =	sbr.rel @p0 .LBB2_1-.Ltmp3, $3  }
0x2ad: {  	_ =	sdelay $0x1  }
0x2ae: {  	[sflag:s0] =	ssyncset.done $0x0  }
0x2af: {  	[sflag:s0] =	ssyncadd.s32 $0xFFFFFF80  }
0x2b0: {  	_ =	sfence.sel $0x180000  }
0x2b1: {  	[bflag:$0x0] =	sbarrier.arrive $0xFFFF  }
0x2b2: {  	_ =	strace $0x90000047  }
0x2b3: {  	s0 =	stileid.u32;
	[bflag:$0x2] =	sbarrier.arrive $0xFFFF  }
0x2b4: {  	p0 =	sne.s32 s0, $0x0;
	s0 =	rddreg [dreg:$0x2]  }
0x2b5: {  	s0 =	sadd.s32 @!p0 $0x100000, s0  }
0x2b6: {  	[sflag:s0] =	ssyncadd.tile.s32 @!p0 $0x1;
	_ =	shalt  }
.Lfunc_end2:
_tile_overlayer_lowered:
.L_overlay_start_2:
0x2b7: {  	(tag) =	ssettag $0x2  }
0x2b8: {  	s0 =	rddreg [dreg:$0x0];
	s2 =	stileid.u32  }
0x2b9: {  	s1 =	rddreg [dreg:$0x1];
	p0 =	sne.s32 s2, $0x0  }
0x2ba: {  	s3 =	rddreg [dreg:$0x2];
	[bflag:$0x3] =	sbarrier.arrive $0xFFFF;
	s2 =	simm.s32 @!p0 $0x1C03  }
0x2bb: {  	[timem:s3], [sflag:s2] =	dma.local @!p0 [hbm:s0], s1  }
0x2bc: {  	s0 =	simm.s32 @!p0 $0x3  }
0x2bd: {  	_ =	swait.ge @!p0 [sflag:s0], s1  }
0x2be: {  	s1 =	ssub.s32 @!p0 $0x0, s1;
	[sflag:s0] =	ssyncset.done @!p0 $0x0  }
0x2bf: {  	[sflag:s0] =	ssyncadd.s32 @!p0 s1  }
0x2c0: {  	[bflag:$0x3] =	sbarrier.arrive $0xFFFF  }
0x2c1: {  	_ =	shalt  }

// kernel: sparse-core-data-format-call.cloned.1.call-start
scs
called_computation_lowered:
.L_overlay_start_0:
0x0: {  	s2 =	sld [smem:$0x3FD9]  }
0x1: {  	s3 =	sld [smem:$0x3FFE];
	_ =	sdelay $0x1  }
0x2: {  	s1 =	srdreg.scid  }
0x3: {  	s0 =	sand.u32 $0x1, s1  }
0x4: {  	s18 =	sshll.u32 s0, $0xA;
	s2 =	sadd.s32 s3, s2  }
0x5: {  	s2 =	sadd.s32 s2, s18  }
0x6: {  	[smem:$0x3FC6] =	sst s2  }
0x7: {  	_ = 	snop  }
0x8: {  	s2 =	sld [smem:$0x3FD0];
	(tm) =	ssettm $0x1  }
0x9: {  	s19 =	sld [smem:$0x3FFB];
	_ =	sdelay $0x3  }
0xa: {  	_ =	strace s19  }
0xb: {  	s3 =	sld [smem:$0x3FFC];
	_ =	sdelay $0x3  }
0xc: {  	_ =	strace s3  }
0xd: {  	s3 =	sld [smem:$0x3FFD];
	_ =	sdelay $0x3  }
0xe: {  	_ =	strace s3  }
0xf: {  	_ =	strace $0x8FFFFFFF  }
0x10: {  	s20 =	sld [smem:$0x3FDB];
	_ =	sdelay $0x1  }
0x11: {  	s4 =	simm.s32 $_scs_section_size  }
0x12: {  	s5 =	simm.s32 $_size__tile_overlayer_lowered;
	s6 =	simm.s32 $_tile_overlayer_lowered  }
0x13: {  	s23 =	simm.s32 $0x1BFF;
	s22 =	sshll.u32 s6, $0x1;
	s3 =	sadd.s32 s4, s20  }
0x14: {  	s7 =	simm.s32 $0x0;
	s21 =	sshll.u32 s5, $0x1;
	s5 =	sadd.s32 s22, s3  }
0x15: {  	[timem:s7], [sflag:s23] =	dma.local [hbm:s5], s21  }
0x16: {  	_ =	swait.ge [sflag:s23], s21  }
0x17: {  	s4 =	ssub.s32 $0x0, s21;
	[sflag:s23] =	ssyncset.done $0x0  }
0x18: {  	[sflag:s23] =	ssyncadd.s32 s4;
	_ =	sdelay $0x1  }
0x19: {  	s24 =	simm.s32 $0x1B8B  }
0x1a: {  	_ =	swait.ge [sflag:s24], $0x1  }
0x1b: {  	[sflag:s24] =	ssyncset.done $0x0  }
0x1c: {  	s26 =	simm.s32 $0x1B8E;
	s25 =	sld [smem:$0x3FFE];
	[sflag:s24] =	ssyncadd.s32 $0xFFFFFFFF  }
0x1d: {  	s27 =	simm.s32 $execute0_lowered;
	[smem:$0x3FD2] =	sst s26  }
0x1e: {  	s5 =	sshll.u32 s27, $0x1;
	_ =	strace $0x80000049;
	[dreg:$0x1] =	wrdreg $0xFFFFFFFF  }
0x1f: {  	s28 =	simm.s32 $_size_execute0_lowered;
	s3 =	sadd.s32 s3, s5;
	[dreg:$0x0] =	wrdreg $0x0  }
0x20: {  	s5 =	sshll.u32 s28, $0x1;
	[dreg:$0x2] =	wrdreg s3  }
0x21: {  	[dreg:$0x3] =	wrdreg s5  }
0x22: {  	[dreg:$0x4] =	wrdreg $0xC0  }
0x23: {  	_ =	task [dreg:s7], $0x5FFFF  }
0x24: {  	[dreg:$0x1] =	wrdreg $0xFFFFFFFF  }
0x25: {  	[dreg:$0x0] =	wrdreg $0x60  }
0x26: {  	[dreg:$0x2] =	wrdreg s25  }
0x27: {  	[dreg:$0x3] =	wrdreg s2  }
0x28: {  	[dreg:$0x4] =	wrdreg $0x9  }
0x29: {  	_ =	task.clear_ibuf [dreg:s7], $0x5FFFF;
	_ =	strace $0x90000049  }
0x2a: {  	s29 =	simm.s32 $0x9;
	_ =	strace $0x8000004B  }
0x2b: {  	_ =	swait.ge [sflag:s29], $0x1  }
0x2c: {  	[sflag:s29] =	ssyncadd.s32 $0xFFFFFFFF  }
0x2d: {  	_ =	strace $0x9000004B  }
0x2e: {  	_ =	sfence  }
0x2f: {  	s30 =	sld [smem:$0x0];
	_ =	sdelay $0x2  }
0x30: {  	s31 =	sshll.u32 s1, $0xD;
	s1 =	sshrl.u32 s1, $0x2  }
0x31: {  	s3 =	sand.u32 $0x4000, s31;
	s1 =	sadd.s32 s1, s30  }
0x32: {  	s0 =	sor.u32 s3, s0;
	s1 =	sshll.u32 s1, $0x11  }
0x33: {  	s0 =	sor.u32 s1, s0  }
0x34: {  	s0 =	sadd.s32 $0x8F2B, s0  }
0x35: {  	[sflag:s0] =	ssyncadd.remote.s32 $0x1  }
0x36: {  	_ =	sfence.sel $0xFFFF  }
0x37: {  	[dreg:$0x0] =	wrdreg $0xFFFFFFFF;
	(pc) =	sbr.abs _section_cstart, $3  }
0x38: {  	[dreg:$0x1] =	wrdreg $0xFFFFFFFF  }
0x39: {  	_ =	task.clear_ibuf [dreg:s7], $0x2FFFF;
	_ =	strace $0x9FFFFFFF  }
0x3a: {  	(tm) =	ssettm $0x7FFFFFFF  }
0x3b: {  	_ =	shalt  }
tec
execute0_lowered:
.L_overlay_start_1:
0x0: {  	(tag) =	ssettag $0x1  }
0x1: {  	s0 =	srdreg.scid;
	s6 =	rddreg [dreg:$0x0]  }
0x2: {  	s3 =	rddreg [dreg:$0x1];
	s1 =	sshll.u32 s0, $0x4  }
0x3: {  	s5 =	simm.s32 $0x1;
	s0 =	stileid.u32;
	s1 =	sand.u32 $0x10, s1  }
0x4: {  	s31 =	simm.s32 $0x2;
	s16 =	simm.s32 $0x0;
	s1 =	sor.u32 s0, s1  }
0x5: {  	s8 =	simm.s32 $0x20000;
	s18 =	simm.s32 $0x0;
	s2 =	sshll.u32 s1, $0x7  }
0x6: {  	s17 =	simm.s32 $0x0;
	s9 =	simm.s32 $0x0;
	s4 =	ssub.s32 $0x4000, s2  }
0x7: {  	s10 =	simm.s32 $0x0;
	s11 =	simm.s32 $0x0;
	s30 =	sand.u32 $0xF80, s4  }
0x8: {  	s12 =	simm.s32 $0x0;
	s13 =	simm.s32 $0x0;
	p0 =	sne.s32 s30, $0x0  }
.Ltmp0:
0x9: {  	s7 =	sshrl.u32 s4, $0xC;
	s5 =	simm.s32 @!p0 $0x0;
	(pc) =	sbr.rel .LBB1_1-.Ltmp0, $4  }
0xa: {  	s15 =	simm.s32 $0x0;
	s1 =	rddreg [dreg:$0x2];
	s5 =	sadd.s32 s5, s7  }
0xb: {  	_ =	strace $0x8000004A;
	s4 =	simm.s32 $0x1;
	s5 =	smul.u32 $0x96, s5  }
0xc: {  	s6 =	sadd.s32 $0x28A7000, s6;
	s14 =	smov.u32 s2;
	[sflag:s4] =	ssyncpa.u1 $0x0  }
0xd: {  	[sflag:s31] =	ssyncpa.u1 $0x0;
	p0 =	por $0x0, $0x0;
	s7 =	sor.u32 $0x1, s5  }
.LBB1_4:
0xe: {  	s23 =	sshra.s32 s23, $0x2;
	s30 =	sshll.u32 s9, $0xE  }
0xf: {  	p1 =	sgt.s32 s10, $0x31;
	s24 =	smov.u32 s10;
	s25 =	sshra.s32 s10, $0x1F  }
0x10: {  	s26 =	sshll.u32 s11, $0x3;
	s28 =	smov.u32 s11;
	s29 =	sshra.s32 s11, $0x1F  }
0x11: {  	s22 =	sadd.s32 s23, s22;
	s24 =	simm.s32 @!p1 $0x31;
	s25 =	sand.u32 s25, s10  }
0x12: {  	s23 =	sand.u32 $0xFFFE0000, s30;
	s27 =	sand.u32 $0xFFFFFC00, s26;
	p1 =	sgt.s32 s9, $0xB0  }
0x13: {  	s31 =	sand.u32 s29, s11;
	s29 =	sshll.u32 s9, $0x7;
	s30 =	sshra.s32 s9, $0x1F  }
0x14: {  	[tilespmem:s21+$0x2040 ss:$0x81] =	vst.msk $0xffff, v4;
	s24 =	ssub.s32 s24, s25;
	s23 =	sadd.s32 s27, s23;
	s27 =	smov.u32 s9  }
0x15: {  	[tilespmem:s21+$0x2850 ss:$0x81] =	vst.msk $0xffff, v3;
	s29 =	sand.u32 $0x380, s29;
	s25 =	sadd.s32 $0xFFFFFFCF, s24;
	s27 =	simm.s32 @!p1 $0xB0  }
0x16: {  	v5 =	vld [tilespmem:s20+$0xFFFFFFD0];
	[tilespmem:s21+$0x3060 ss:$0x81] =	vst.msk $0xffff, v2;
	p1 =	sgt.s32 s11, $0x3F80;
	s23 =	sshrl.u32 s23, $0xE;
	s24 =	ssub.s32 $0x32, s24  }
0x17: {  	v58 =	vld [tilespmem:s20+$0xFFFFFFE0];
	[tilespmem:s21+$0x0 ss:$0x81] =	vst.msk $0xffff, v1;
	s28 =	simm.s32 @!p1 $0x3F80;
	p1 =	sgt.s32 s25, $0x0;
	s21 =	smulhi.u32 $0xD79436, s23  }
0x18: {  	v59 =	vld [tilespmem:s20+$0xFFFFFFF0];
	s25 =	ssub.s32 s28, s31;
	s28 =	sand.u32 s30, s9;
	s24 =	simm.s32 @p1 $0x0  }
0x19: {  	v60 =	vld [tilespmem:s20+$0x0];
	s27 =	ssub.s32 s27, s28;
	s31 =	sadd.s32 $0xFFFFC080, s25;
	s25 =	ssub.s32 $0x4000, s25  }
0x1a: {  	v61 =	vld [tilespmem:s20+$0x10];
	[tilespmem:s22+$0x3870 ss:$0x81] =	vst.msk $0xffff, v0;
	s21 =	smul.u32 $0x130, s21;
	s28 =	sand.u32 $0x7, s11;
	p1 =	sgt.s32 s31, $0x7F  }
0x1b: {  	v62 =	vld [tilespmem:s20+$0x20];
	[tilespmem:s22+$0x810 ss:$0x81] =	vst.msk $0xffff, v5;
	s30 =	sadd.s32 $0xFFFFFF50, s27;
	s31 =	sand.u32 $0x78, s11;
	s25 =	simm.s32 @p1 $0x0  }
0x1c: {  	v63 =	vld [tilespmem:s20+$0xFFFFFFC0];
	[tilespmem:s22+$0x1020 ss:$0x81] =	vst.msk $0xffff, v58;
	p1 =	sgt.s32 s30, $0x7F;
	s30 =	sand.u32 $0x3C00, s26;
	s24 =	smul.u32 s25, s24  }
0x1d: {  	[tilespmem:s22+$0x1830 ss:$0x81] =	vst.msk $0xffff, v59;
	s26 =	ssub.s32 $0x130, s27;
	s20 =	sor.u32 s31, s30;
	s31 =	smul.u32 $0x98000, s10  }
0x1e: {  	[tilespmem:s22+$0x2040 ss:$0x81] =	vst.msk $0xffff, v60;
	s21 =	ssub.s32 s23, s21;
	s26 =	simm.s32 @p1 $0x0;
	s20 =	sor.u32 s29, s20  }
0x1f: {  	[tilespmem:s22+$0x2850 ss:$0x81] =	vst.msk $0xffff, v61;
	s26 =	smul.u32 s26, s24;
	s20 =	sshrl.u32 s20, $0x3;
	s27 =	sadd.s32 s3, s31  }
0x20: {  	[tilespmem:s22+$0x3060 ss:$0x81] =	vst.msk $0xffff, v62;
	s21 =	sshll.u32 s21, $0xB;
	s29 =	sshll.u32 s28, $0x12;
	s20 =	sadd.s32 s20, s27  }
0x21: {  	[tilespmem:s22+$0x0 ss:$0x81] =	vst.msk $0xffff, v63;
	s31 =	sor.u32 $0x400, s29;
	s30 =	sand.u32 $0x3FFFFFFF, s26;
	s20 =	sadd.s32 s21, s20  }
0x22: {  	[hbm4b:s20+s31] =	stream.strided.scatter [tilespmem:s19], [sflag:$0x2], s30, s8, s31, $0x20;
	[tilespmem:$0x10100] =	vst v63  }
.LBB1_5:
0x23: {  	p1 =	slt.u32 s15, $0x2  }
0x24: {  	p2 =	sgt.s32 @!p1 s18, $0x31  }
0x25: {  	s19 =	smov.u32 s18;
	s20 =	sshra.s32 @!p1 s18, $0x1F;
	p2 =	por !p2, p1  }
0x26: {  	s18 =	sand.u32 @!p1 s20, s18;
	s19 =	simm.s32 @p2 $0x31  }
0x27: {  	p3 =	sgt.s32 @!p1 s16, $0xB0;
	s18 =	ssub.s32 @!p1 s19, s18  }
0x28: {  	p4 =	sgt.s32 @!p1 s17, $0x3F80;
	s21 =	sshra.s32 @!p1 s17, $0x1F;
	s19 =	sadd.s32 @!p1 $0xFFFFFFCF, s18  }
0x29: {  	s20 =	smov.u32 s16;
	p2 =	sgt.s32 @!p1 s19, $0x0;
	s19 =	sshra.s32 @!p1 s16, $0x1F  }
0x2a: {  	p4 =	por !p4, p1;
	s16 =	sand.u32 @!p1 s19, s16;
	s19 =	smov.u32 s17  }
0x2b: {  	p3 =	por !p3, p1;
	s17 =	sand.u32 @!p1 s21, s17;
	s19 =	simm.s32 @p4 $0x3F80  }
0x2c: {  	s20 =	simm.s32 @p3 $0xB0;
	s18 =	ssub.s32 @!p1 $0x32, s18;
	s17 =	ssub.s32 @!p1 s19, s17  }
0x2d: {  	p2 =	por !p2, p1;
	s16 =	ssub.s32 @!p1 s20, s16;
	s20 =	sadd.s32 @!p1 $0xFFFFC080, s17  }
0x2e: {  	s18 =	simm.s32 @!p2 $0x0;
	p3 =	sgt.s32 @!p1 s20, $0x7F  }
0x2f: {  	s19 =	sadd.s32 @!p1 $0xFFFFFF50, s16;
	s17 =	ssub.s32 @!p1 $0x4000, s17;
	p3 =	por !p3, p1  }
0x30: {  	p2 =	sgt.s32 @!p1 s19, $0x7F;
	s19 =	sadd.s32 $0x80, s12;
	s17 =	simm.s32 @!p3 $0x0  }
0x31: {  	p3 =	sgt.s32 s19, $0x12B;
	s17 =	smul.u32 @!p1 s17, s18;
	s18 =	simm.s32 $0x1  }
0x32: {  	s16 =	ssub.s32 @!p1 $0x130, s16;
	p2 =	por !p2, p1;
	s18 =	simm.s32 @!p3 $0x0  }
0x33: {  	s21 =	smov.u32 s14;
	s16 =	simm.s32 @!p2 $0x0;
	s20 =	sadd.s32 s18, s13  }
0x34: {  	s16 =	smul.u32 @!p1 s16, s17;
	s17 =	sadd.s32 $0x1000, s14;
	p2 =	sgt.s32 s20, $0x31  }
0x35: {  	p0 =	por !p0, !p0;
	s22 =	simm.s32 @!p1 $0x2;
	s21 =	smov.u32 @p2 s17  }
0x36: {  	s19 =	simm.s32 @p3 $0x0;
	s20 =	simm.s32 @p2 $0x0;
	p2 =	sgt.s32 s21, $0x3FFF  }
0x37: {  	s18 =	smov.u32 s10;
	s21 =	smov.u32 @p2 s2;
	p2 =	sne.s32 s15, s7  }
.Ltmp1:
0x38: {  	s10 =	smov.u32 s13;
	s16 =	sand.u32 @!p1 $0x3FFFFFFF, s16;
	(pc) =	sbr.rel @!p2 .LBB1_6-.Ltmp1, $4  }
0x39: {  	s17 =	smov.u32 s11;
	s11 =	smov.u32 s14;
	_ =	swait.ge @!p1 [sflag:s22], s16  }
0x3a: {  	s23 =	ssub.s32 @!p1 $0x0, s16;
	s16 =	smov.u32 s9;
	s9 =	smov.u32 s12  }
0x3b: {  	s12 =	smov.u32 s19;
	s13 =	smov.u32 s20;
	[sflag:s22] =	ssyncset.done @!p1 $0x0  }
0x3c: {  	s15 =	sadd.s32 $0x1, s15;
	[sflag:s22] =	ssyncadd.s32 @!p1 s23;
	s14 =	smov.u32 s21  }
.LBB1_1:
0x3d: {  	p1 =	sge.u32 s15, s5  }
0x3e: {  	s19 =	sshrl.u32 @!p1 s13, $0x3  }
0x3f: {  	s20 =	sshll.u32 @!p1 s12, $0x3;
	s19 =	smul.u32 @!p1 $0xC00, s19  }
0x40: {  	s21 =	sshll.u32 @!p1 s13, $0x7;
	s20 =	sand.u32 @!p1 $0xFFFFFC00, s20  }
0x41: {  	s19 =	sadd.s32 @!p1 s19, s20;
	s20 =	sand.u32 @!p1 $0x380, s21  }
0x42: {  	s19 =	sor.u32 @!p1 s20, s19  }
0x43: {  	s20 =	sand.u32 @!p1 $0x7F, s12;
	s21 =	smulhi.u32 @!p1 $0xAAAAAAAB, s19  }
0x44: {  	s19 =	sor.u32 @!p1 s20, s19  }
0x45: {  	s20 =	smulhi.u32 @!p1 $0xAAAAAAAB, s19;
	s21 =	sshrl.u32 @!p1 s21, $0x8  }
0x46: {  	s22 =	smulhi.u32 @!p1 $0x4924925, s21;
	_ =	sdelay $0x1  }
0x47: {  	s20 =	sshrl.u32 @!p1 s20, $0x8;
	s22 =	smul.u32 @!p1 $0x38, s22  }
0x48: {  	s31 =	sadd.s32 $0xFFFFFFFF, s15;
	s20 =	smul.u32 @!p1 $0x180, s20  }
0x49: {  	s23 =	sxor.u32 @!p1 $0xFFFFFFFF, s15;
	s21 =	ssub.s32 @!p1 s21, s22;
	s22 =	smul.u32 @!p1 $0xA80, s14  }
0x4a: {  	s23 =	sshll.u32 @!p1 s23, $0xE;
	s19 =	ssub.s32 @!p1 s19, s20;
	s20 =	smul.u32 @!p1 $0x30, s21  }
0x4b: {  	s21 =	sand.u32 @!p1 $0x4000, s23;
	s23 =	sand.u32 @!p1 $0x7, s19;
	s22 =	sadd.s32 @!p1 s6, s22  }
0x4c: {  	s19 =	sshrl.u32 @!p1 s19, $0x3;
	s20 =	sadd.s32 @!p1 s20, s22;
	s22 =	sshll.u32 @!p1 s23, $0x12  }
0x4d: {  	s19 =	sadd.s32 @!p1 s19, s20;
	s20 =	sor.u32 @!p1 $0x80, s22;
	s22 =	simm.s32 @!p1 $0x5400  }
0x4e: {  	[tilespmem:s21], [sflag:$0x1] =	stream.strided.gather @!p1 [hbm4b:s19+s20], $0x4000, s22, s20, $0x38;
	[tilespmem:$0x10100] =	vst v63  }
0x4f: {  	p1 =	sge.u32 s31, s5  }
.Ltmp2:
0x50: {  	_ = 	snop;
	(pc) =	sbr.rel @p1 .LBB1_5-.Ltmp2, $1  }
0x51: {  	_ =	sdelay $0x3  }
0x52: {  	s19 =	simm.s32 $0x1  }
0x53: {  	_ =	swait.ge [sflag:s4], $0x4000;
	s19 =	simm.s32 @!p0 $0x0  }
0x54: {  	[sflag:s4] =	ssyncset.done $0x0;
	s20 =	sshll.u32 s19, $0xE  }
0x55: {  	[sflag:s4] =	ssyncadd.s32 $0xFFFFC000;
	s20 =	sor.u32 $0x40, s20  }
0x56: {  	s19 =	smul.u32 $0x10200, s19;
	v0 =	vld [tilespmem:s20+$0x30]  }
0x57: {  	v1 =	vld [tilespmem:s20+$0xFFFFFFD0]  }
0x58: {  	s19 =	sshrl.u32 s19, $0x2;
	v5 =	vld [tilespmem:s20+$0xFFFFFFE0]  }
0x59: {  	v6 =	vld [tilespmem:s20+$0xFFFFFFF0];
	s22 =	sor.u32 $0x8000, s19  }
0x5a: {  	s31 =	sand.u32 $0x1, s15;
	v4 =	vld [tilespmem:s20+$0x0];
	s21 =	sadd.s32 $0x0, s22  }
0x5b: {  	v3 =	vld [tilespmem:s20+$0x10];
	s19 =	smul.u32 $0x10200, s31;
	[tilespmem:s21+$0x3870 ss:$0x81] =	vst.msk $0xffff, v0  }
0x5c: {  	v2 =	vld [tilespmem:s20+$0x20];
	[tilespmem:s21+$0x810 ss:$0x81] =	vst.msk $0xffff, v1  }
0x5d: {  	s19 =	sshrl.u32 s19, $0x2;
	v1 =	vld [tilespmem:s20+$0xFFFFFFC0];
	[tilespmem:s21+$0x1020 ss:$0x81] =	vst.msk $0xffff, v5;
	s20 =	sadd.s32 $0x80, s20  }
0x5e: {  	s23 =	simm.s32 $0x4;
	s24 =	simm.s32 $0x8;
	s19 =	sor.u32 $0x8000, s19;
	[tilespmem:s21+$0x1830 ss:$0x81] =	vst.msk $0xffff, v6;
	v0 =	vld [tilespmem:s20+$0x30]  }
.LBB1_3:
0x5f: {  	p1 =	sne.s32 s24, $0x1FC;
	v5 =	vld [tilespmem:s20+$0xFFFFFFD0];
	[tilespmem:s21+$0x2040 ss:$0x81] =	vst.msk $0xffff, v4  }
0x60: {  	v6 =	vld [tilespmem:s20+$0xFFFFFFE0];
	[tilespmem:s21+$0x2850 ss:$0x81] =	vst.msk $0xffff, v3  }
0x61: {  	s25 =	sshra.s32 s23, $0x2;
	s23 =	smov.u32 s24;
	v7 =	vld [tilespmem:s20+$0xFFFFFFF0];
	[tilespmem:s21+$0x3060 ss:$0x81] =	vst.msk $0xffff, v2  }
.Ltmp3:
0x62: {  	v4 =	vld [tilespmem:s20+$0x0];
	[tilespmem:s21+$0x0 ss:$0x81] =	vst.msk $0xffff, v1;
	s21 =	sadd.s32 s25, s22;
	(pc) =	sbr.rel @p1 .LBB1_3-.Ltmp3, $4  }
0x63: {  	v3 =	vld [tilespmem:s20+$0x10];
	[tilespmem:s21+$0x3870 ss:$0x81] =	vst.msk $0xffff, v0  }
0x64: {  	[tilespmem:s21+$0x810 ss:$0x81] =	vst.msk $0xffff, v5;
	v2 =	vld [tilespmem:s20+$0x20]  }
0x65: {  	v1 =	vld [tilespmem:s20+$0xFFFFFFC0];
	[tilespmem:s21+$0x1020 ss:$0x81] =	vst.msk $0xffff, v6;
	s20 =	sadd.s32 $0x80, s20  }
0x66: {  	s24 =	sadd.s32 $0x4, s24;
	v0 =	vld [tilespmem:s20+$0x30];
	[tilespmem:s21+$0x1830 ss:$0x81] =	vst.msk $0xffff, v7  }
.Ltmp4:
0x67: {  	_ = 	snop;
	(pc) =	sbr.rel .LBB1_4-.Ltmp4, $1  }
0x68: {  	_ =	sdelay $0x3  }
.LBB1_6:
0x69: {  	_ =	sfence.sel $0x180000  }
0x6a: {  	s2 =	simm.s32 $0x1;
	[bflag:$0x0] =	sbarrier.arrive $0xFFFF  }
0x6b: {  	s31 =	simm.s32 $0x2;
	[sflag:s2] =	ssyncpa.u1 $0x1  }
0x6c: {  	[sflag:s31] =	ssyncpa.u1 $0x1  }
0x6d: {  	p0 =	sne.s32 s0, $0x0;
	_ =	strace $0x9000004A  }
0x6e: {  	s0 =	sadd.s32 @!p0 $0x100000, s1;
	[bflag:$0x2] =	sbarrier.arrive $0xFFFF  }
0x6f: {  	[sflag:s0] =	ssyncadd.tile.s32 @!p0 $0x1;
	_ =	shalt  }
.Lfunc_end1:
_tile_overlayer_lowered:
.L_overlay_start_2:
0x70: {  	(tag) =	ssettag $0x2  }
0x71: {  	s0 =	rddreg [dreg:$0x0];
	s2 =	stileid.u32  }
0x72: {  	s1 =	rddreg [dreg:$0x1];
	p0 =	sne.s32 s2, $0x0  }
0x73: {  	s3 =	rddreg [dreg:$0x2];
	[bflag:$0x3] =	sbarrier.arrive $0xFFFF;
	s2 =	simm.s32 @!p0 $0x1C01  }
0x74: {  	[timem:s3], [sflag:s2] =	dma.local @!p0 [hbm:s0], s1  }
0x75: {  	s0 =	simm.s32 @!p0 $0x1  }
0x76: {  	_ =	swait.ge @!p0 [sflag:s0], s1  }
0x77: {  	s1 =	ssub.s32 @!p0 $0x0, s1;
	[sflag:s0] =	ssyncset.done @!p0 $0x0  }
0x78: {  	[sflag:s0] =	ssyncadd.s32 @!p0 s1  }
0x79: {  	[bflag:$0x3] =	sbarrier.arrive $0xFFFF  }
0x7a: {  	_ =	shalt  }

</sc_bundles>
